<compile_context>
chip_gen: v7x
topology: tpu7x:2x2x1
jax: 0.10.2.dev20260603
libtpu: 0.0.44.dev20260713+nightly
codegen_flags: <defaults>
</compile_context>

<pallas_src>
import functools

import jax
import jax.numpy as jnp
from jax import lax
from jax.experimental import pallas as pl
from jax.experimental.pallas import tpu as pltpu
from jax.experimental.pallas import tpu_sc as plsc

_NC = 2
_NS = 16
_LANES = 16
_W = 2560


def _npad(N):
    return (-(-N // (_NS * 128)) * 128) * _NS


@functools.partial(jax.jit, static_argnums=(2, 3))
def _segment_partials(z, edge_index, N, E):
    NW = _NC * _NS
    G = E // _W
    assert G * _W == E
    NFULL, NEXTRA = divmod(G, NW)
    NPAD = _npad(N)
    SL = NPAD // _NS

    mesh = plsc.VectorSubcoreMesh(core_axis_name="c", subcore_axis_name="s")

    @functools.partial(
        pl.kernel,
        out_type=jax.ShapeDtypeStruct((_NC * NPAD,), jnp.float32),
        mesh=mesh,
        compiler_params=pltpu.CompilerParams(
            use_tc_tiling_on_sc=True, needs_layout_passes=False),
        scratch_types=[
            pltpu.VMEM_SHARED((NPAD,), jnp.float32),
            pltpu.VMEM((N,), jnp.float32),
            [pltpu.VMEM((2, _W), jnp.int32)] * 2,
            [pltpu.VMEM((_W,), jnp.int32)] * 2,
            [pltpu.VMEM((_W,), jnp.float32)] * 2,
            [pltpu.SemaphoreType.DMA] * 2,
            [pltpu.SemaphoreType.DMA] * 2,
        ],
    )
    def seg(z_hbm, ei_hbm, out_hbm,
            acc_sh, z_t, ei_v, src_v, val_v, esem, ssem):
        cid = lax.axis_index("c")
        sid = lax.axis_index("s")
        wid = cid * _NS + sid
        nwin = jnp.where(wid < NEXTRA, NFULL + 1, NFULL)

        def fetch(i, s):
            off = (wid + i * NW) * _W
            pltpu.async_copy(ei_hbm.at[:, pl.ds(off, _W)], ei_v[s], esem[s])

        fetch(0, 0)
        fetch(1, 1)

        def zbody(i, carry):
            val_v[0][pl.ds(i * _LANES, _LANES)] = jnp.zeros((_LANES,), jnp.float32)
            return carry

        lax.fori_loop(0, _W // _LANES, zbody, 0)
        full, rem = divmod(SL, _W)
        for q in range(full):
            pltpu.sync_copy(val_v[0], acc_sh.at[pl.ds(sid * SL + q * _W, _W)])
        if rem:
            pltpu.sync_copy(val_v[0].at[pl.ds(0, rem)],
                            acc_sh.at[pl.ds(sid * SL + full * _W, rem)])

        pltpu.sync_copy(z_hbm, z_t)

        plsc.subcore_barrier()

        def window(i, s, first):
            pltpu.make_async_copy(ei_hbm.at[:, pl.ds(0, _W)],
                                  ei_v[s], esem[s]).wait()
            if not first:
                pltpu.make_async_copy(val_v[s], acc_sh.at[src_v[s]],
                                      ssem[s]).wait()

            @plsc.parallel_loop(0, _W, step=_LANES, unroll=16)
            def gbody(k):
                src_v[s][pl.ds(k, _LANES)] = ei_v[s][0, pl.ds(k, _LANES)]
                idx = ei_v[s][1, pl.ds(k, _LANES)]
                val_v[s][pl.ds(k, _LANES)] = plsc.load_gather(z_t, [idx])

            @pl.when(i + 2 < nwin)
            def _():
                fetch(i + 2, s)

            pltpu.async_copy(val_v[s], acc_sh.at[src_v[s]], ssem[s], add=True)

        window(0, 0, True)
        window(1, 1, True)

        def body(j, carry):
            window(2 * j, 0, False)
            window(2 * j + 1, 1, False)
            return carry

        lax.fori_loop(1, nwin // 2, body, 0)

        @pl.when(nwin % 2 == 1)
        def _odd_tail():
            pltpu.make_async_copy(ei_hbm.at[:, pl.ds(0, _W)],
                                  ei_v[0], esem[0]).wait()
            pltpu.make_async_copy(val_v[0], acc_sh.at[src_v[0]], ssem[0]).wait()

            @plsc.parallel_loop(0, _W, step=_LANES, unroll=16)
            def gbody(k):
                src_v[0][pl.ds(k, _LANES)] = ei_v[0][0, pl.ds(k, _LANES)]
                idx = ei_v[0][1, pl.ds(k, _LANES)]
                val_v[0][pl.ds(k, _LANES)] = plsc.load_gather(z_t, [idx])

            pltpu.async_copy(val_v[0], acc_sh.at[src_v[0]], ssem[0], add=True)

        for h in range(2):
            pltpu.make_async_copy(val_v[h], acc_sh.at[src_v[h]], ssem[h]).wait()

        plsc.subcore_barrier()

        @pl.when(sid == 0)
        def _writeout():
            pltpu.sync_copy(acc_sh, out_hbm.at[pl.ds(cid * NPAD, NPAD)])

    return seg(z, edge_index)


def _make_combine(N, NPAD):
    def body(s_ref, z_ref, d_ref, p_ref, o_ref):
        alpha = jnp.exp(s_ref[0])
        beta = -alpha * jnp.exp(s_ref[1])
        gamma = jnp.exp(s_ref[2])
        bias = s_ref[3]
        logd = jnp.log(d_ref[...])
        az = p_ref[pl.ds(0, N)] + p_ref[pl.ds(NPAD, N)]
        o_ref[...] = (alpha * jnp.exp(gamma * logd) * z_ref[...]
                      + beta * jnp.exp((gamma - 1.0) * logd) * az + bias)

    return pl.pallas_call(
        body,
        out_shape=jax.ShapeDtypeStruct((N,), jnp.float32),
        in_specs=[
            pl.BlockSpec(memory_space=pltpu.SMEM),
            pl.BlockSpec(memory_space=pltpu.VMEM),
            pl.BlockSpec(memory_space=pltpu.VMEM),
            pl.BlockSpec(memory_space=pltpu.VMEM),
        ],
        out_specs=pl.BlockSpec(memory_space=pltpu.VMEM),
    )


def kernel(z, edge_index, D, params):
    N = z.shape[0]
    E = edge_index.shape[1]

    partial = _segment_partials(z, edge_index, N, E)
    NPAD = _npad(N)

    return _make_combine(N, NPAD)(params, z, D, partial)

# --- scband reference (transcript-rebuilt; emitter-appended) ---
"""Pipeline reference for scband-graph-layer-68427418960253 (READ-ONLY COPY).

The authoritative reference and input builder live on the scoring server;
editing this copy changes nothing except your own understanding.
"""

import jax, jax.numpy as jnp
import numpy as np

N = 100000
E = 6400000


def setup_inputs(seed: int = 0) -> dict:
    key = jax.random.key(seed)
    k1, k2, k3 = jax.random.split(key, 3)
    z = jax.random.normal(k1, (N,), dtype=jnp.float32)
    # First N edges guarantee every node has out-degree >= 1 (no isolated rows,
    # matching the constructor's check that sum(A, axis=1) > 0 everywhere).
    src = jnp.concatenate([
        jnp.arange(N, dtype=jnp.int32),
        jax.random.randint(k2, (E - N,), 0, N, dtype=jnp.int32),
    ])
    dst = jax.random.randint(k3, (E,), 0, N, dtype=jnp.int32)
    edge_index = jnp.stack([src, dst], axis=0)
    # D = row sums of the (0/1, possibly multi-) adjacency A
    D = jax.ops.segment_sum(jnp.ones((E,), dtype=jnp.float32), src, num_segments=N)
    # learned parameter vector theta = (theta1..theta4, slope_raw)
    params = jnp.array([0.1, 0.2, 0.0, 0.05, 0.0], dtype=jnp.float32)
    return {"z": z, "edge_index": edge_index, "D": D, "params": params}


def params_transform(params):
    alpha = jnp.exp(params[0])
    beta = -alpha * jnp.exp(params[1])
    gamma = jnp.exp(params[2])
    b = params[3]
    slope = jax.nn.softplus(params[4])
    return alpha, beta, gamma, b, slope


def reference(z, edge_index, D, params):
    # GraphLayer.__call__ with transpose=False, with_bias=True (default path):
    #   Gz = alpha * D**gamma * z + beta * D**(gamma-1) * (A @ z); return Gz + b
    alpha, beta, gamma, b, slope = params_transform(params)
    src = edge_index[0]
    dst = edge_index[1]
    # sparse matvec A @ z: gather z at column indices, scatter-add into rows
    Az = jax.ops.segment_sum(z[dst], src, num_segments=D.shape[0])
    Gz = alpha * (D ** gamma) * z + beta * (D ** (gamma - 1.0)) * Az
    return Gz + b

if __name__ == "__main__":
    import jax
    _d = setup_inputs()
    print(jax.jit(kernel)(*tuple(_d.values())))

</pallas_src>

<mosaic_0001>
#map = affine_map<(d0, d1) -> (0)>
#map1 = affine_map<(d0, d1) -> (0, 0)>
module attributes {stable_mosaic.version = 14 : i64} {
  func.func @seg(%arg0: i32, %arg1: i32, %arg2: memref<100000xf32, #tpu.memory_space<hbm>>, %arg3: memref<2x6400000xi32, #tpu.memory_space<hbm>>, %arg4: memref<200704xf32, #tpu.memory_space<hbm>>, %arg5: memref<100352xf32, #tpu.memory_space<vmem_shared>>, %arg6: memref<100000xf32, #tpu.memory_space<vmem>>, %arg7: memref<2x2560xi32, #tpu.memory_space<vmem>>, %arg8: memref<2x2560xi32, #tpu.memory_space<vmem>>, %arg9: memref<2560xi32, #tpu.memory_space<vmem>>, %arg10: memref<2560xi32, #tpu.memory_space<vmem>>, %arg11: memref<2560xf32, #tpu.memory_space<vmem>>, %arg12: memref<2560xf32, #tpu.memory_space<vmem>>, %arg13: memref<!tpu.dma_semaphore, #tpu.memory_space<semaphore_mem>>, %arg14: memref<!tpu.dma_semaphore, #tpu.memory_space<semaphore_mem>>, %arg15: memref<!tpu.dma_semaphore, #tpu.memory_space<semaphore_mem>>, %arg16: memref<!tpu.dma_semaphore, #tpu.memory_space<semaphore_mem>>) attributes {dimension_semantics = [#tpu.dimension_semantics<core_parallel>, #tpu.dimension_semantics<subcore_parallel>], iteration_bounds = array<i64: 2, 16>, scalar_prefetch = 0 : i64, scratch_operands = 12 : i64, tpu.core_type = #tpu.core_type<sc_vector_subcore>, window_params = [{transform_indices = #map}, {transform_indices = #map1}, {transform_indices = #map}]} {
    %mul3A = arith.constant 16 : i32
    %mul3A_0 = arith.muli %arg0, %mul3A : i32
    %add3A = arith.addi %mul3A_0, %arg1 : i32
    %lt3A = arith.constant 4 : i32
    %lt3A_1 = arith.cmpi slt, %add3A, %lt3A : i32
    %jit3A = arith.constant 79 : i32
    %jit3A_2 = arith.constant 78 : i32
    %select_n3A = arith.select %lt3A_1, %jit3A, %jit3A_2 : i32
    %add3A_3 = arith.constant 0 : i32
    %add3A_4 = arith.addi %add3A, %add3A_3 : i32
    %mul3A_5 = arith.constant 2560 : i32
    %mul3A_6 = arith.muli %add3A_4, %mul3A_5 : i32
    %dma_start3A = arith.constant 0 : i32
    %dma_start3A_7 = tpu.memref_slice %arg3[%dma_start3A, %mul3A_6] : memref<2x6400000xi32, #tpu.memory_space<hbm>> -> memref<2x2560xi32, #tpu.memory_space<hbm>>
    %dma_start3A_8 = arith.constant 0 : i32
    %dma_start3A_9 = tpu.memref_slice %arg3[%dma_start3A_8, %mul3A_6] : memref<2x6400000xi32, #tpu.memory_space<hbm>> -> memref<2x2560xi32, #tpu.memory_space<hbm>>
    tpu.enqueue_dma source(%dma_start3A_9 : memref<2x2560xi32, #tpu.memory_space<hbm>>) target(%arg7 : memref<2x2560xi32, #tpu.memory_space<vmem>>) target_semaphore(%arg13 : memref<!tpu.dma_semaphore, #tpu.memory_space<semaphore_mem>>)
    %add3A_10 = arith.constant 32 : i32
    %add3A_11 = arith.addi %add3A, %add3A_10 : i32
    %mul3A_12 = arith.constant 2560 : i32
    %mul3A_13 = arith.muli %add3A_11, %mul3A_12 : i32
    %dma_start3A_14 = arith.constant 0 : i32
    %dma_start3A_15 = tpu.memref_slice %arg3[%dma_start3A_14, %mul3A_13] : memref<2x6400000xi32, #tpu.memory_space<hbm>> -> memref<2x2560xi32, #tpu.memory_space<hbm>>
    %dma_start3A_16 = arith.constant 0 : i32
    %dma_start3A_17 = tpu.memref_slice %arg3[%dma_start3A_16, %mul3A_13] : memref<2x6400000xi32, #tpu.memory_space<hbm>> -> memref<2x2560xi32, #tpu.memory_space<hbm>>
    tpu.enqueue_dma source(%dma_start3A_17 : memref<2x2560xi32, #tpu.memory_space<hbm>>) target(%arg8 : memref<2x2560xi32, #tpu.memory_space<vmem>>) target_semaphore(%arg14 : memref<!tpu.dma_semaphore, #tpu.memory_space<semaphore_mem>>)
    %scan3A = arith.constant 0 : i32
    %scan3A_18 = arith.constant 0 : i32
    %scan3A_19 = arith.constant 160 : i32
    %scan3A_20 = arith.addi %scan3A_18, %scan3A_19 : i32
    %scan3A_21 = arith.constant 1 : i32
    scf.for %scan3A_119 = %scan3A_18 to %scan3A_20 step %scan3A_21  : i32 {
      %broadcast_in_dim3A = arith.constant 0.000000e+00 : f32
      %broadcast_in_dim3A_120 = vector.broadcast %broadcast_in_dim3A : f32 to vector<16xf32>
      %mul3A_121 = arith.constant 16 : i32
      %mul3A_122 = arith.muli %scan3A_119, %mul3A_121 : i32
      %swap3A = arith.index_cast %mul3A_122 : i32 to index
      %swap3A_123 = tpu.vector_load %arg11[%swap3A] {strides = array<i32>} : memref<2560xf32, #tpu.memory_space<vmem>>, vector<16xf32>,
      tpu.vector_store %arg11[%swap3A], %broadcast_in_dim3A_120 {strides = array<i32>} : memref<2560xf32, #tpu.memory_space<vmem>>, vector<16xf32>,
    }
    %scan3A_22 = arith.constant 160 : i32
    %mul3A_23 = arith.constant 6272 : i32
    %mul3A_24 = arith.muli %arg1, %mul3A_23 : i32
    %add3A_25 = arith.constant 0 : i32
    %add3A_26 = arith.addi %mul3A_24, %add3A_25 : i32
    "tpu.region"() ({
      %run_scoped3A = tpu.sem_alloc : memref<!tpu.dma_semaphore, #tpu.memory_space<semaphore_mem>>
      %dma_start3A_119 = tpu.memref_slice %arg5[%add3A_26] : memref<100352xf32, #tpu.memory_space<vmem_shared>> -> memref<2560xf32, #tpu.memory_space<vmem_shared>>
      %dma_start3A_120 = tpu.memref_slice %arg5[%add3A_26] : memref<100352xf32, #tpu.memory_space<vmem_shared>> -> memref<2560xf32, #tpu.memory_space<vmem_shared>>
      tpu.enqueue_dma source(%arg11 : memref<2560xf32, #tpu.memory_space<vmem>>) target(%dma_start3A_120 : memref<2560xf32, #tpu.memory_space<vmem_shared>>) target_semaphore(%run_scoped3A : memref<!tpu.dma_semaphore, #tpu.memory_space<semaphore_mem>>)
      %dma_wait3A_121 = tpu.memref_slice %arg5[%add3A_26] : memref<100352xf32, #tpu.memory_space<vmem_shared>> -> memref<2560xf32, #tpu.memory_space<vmem_shared>>
      %dma_wait3A_122 = tpu.memref_slice %arg5[%add3A_26] : memref<100352xf32, #tpu.memory_space<vmem_shared>> -> memref<2560xf32, #tpu.memory_space<vmem_shared>>
      tpu.wait_dma2 semaphore(%run_scoped3A : memref<!tpu.dma_semaphore, #tpu.memory_space<semaphore_mem>>) src(%arg11 : memref<2560xf32, #tpu.memory_space<vmem>>) dst(%dma_wait3A_122 : memref<2560xf32, #tpu.memory_space<vmem_shared>>)
      tpu.yield
    }) : () -> ()
    %mul3A_27 = arith.constant 6272 : i32
    %mul3A_28 = arith.muli %arg1, %mul3A_27 : i32
    %add3A_29 = arith.constant 2560 : i32
    %add3A_30 = arith.addi %mul3A_28, %add3A_29 : i32
    "tpu.region"() ({
      %run_scoped3A = tpu.sem_alloc : memref<!tpu.dma_semaphore, #tpu.memory_space<semaphore_mem>>
      %dma_start3A_119 = tpu.memref_slice %arg5[%add3A_30] : memref<100352xf32, #tpu.memory_space<vmem_shared>> -> memref<2560xf32, #tpu.memory_space<vmem_shared>>
      %dma_start3A_120 = tpu.memref_slice %arg5[%add3A_30] : memref<100352xf32, #tpu.memory_space<vmem_shared>> -> memref<2560xf32, #tpu.memory_space<vmem_shared>>
      tpu.enqueue_dma source(%arg11 : memref<2560xf32, #tpu.memory_space<vmem>>) target(%dma_start3A_120 : memref<2560xf32, #tpu.memory_space<vmem_shared>>) target_semaphore(%run_scoped3A : memref<!tpu.dma_semaphore, #tpu.memory_space<semaphore_mem>>)
      %dma_wait3A_121 = tpu.memref_slice %arg5[%add3A_30] : memref<100352xf32, #tpu.memory_space<vmem_shared>> -> memref<2560xf32, #tpu.memory_space<vmem_shared>>
      %dma_wait3A_122 = tpu.memref_slice %arg5[%add3A_30] : memref<100352xf32, #tpu.memory_space<vmem_shared>> -> memref<2560xf32, #tpu.memory_space<vmem_shared>>
      tpu.wait_dma2 semaphore(%run_scoped3A : memref<!tpu.dma_semaphore, #tpu.memory_space<semaphore_mem>>) src(%arg11 : memref<2560xf32, #tpu.memory_space<vmem>>) dst(%dma_wait3A_122 : memref<2560xf32, #tpu.memory_space<vmem_shared>>)
      tpu.yield
    }) : () -> ()
    %mul3A_31 = arith.constant 6272 : i32
    %mul3A_32 = arith.muli %arg1, %mul3A_31 : i32
    %add3A_33 = arith.constant 5120 : i32
    %add3A_34 = arith.addi %mul3A_32, %add3A_33 : i32
    "tpu.region"() ({
      %run_scoped3A = tpu.sem_alloc : memref<!tpu.dma_semaphore, #tpu.memory_space<semaphore_mem>>
      %dma_start3A_119 = arith.constant 0 : i32
      %dma_start3A_120 = tpu.memref_slice %arg11[%dma_start3A_119] : memref<2560xf32, #tpu.memory_space<vmem>> -> memref<1152xf32, #tpu.memory_space<vmem>>
      %dma_start3A_121 = tpu.memref_slice %arg5[%add3A_34] : memref<100352xf32, #tpu.memory_space<vmem_shared>> -> memref<1152xf32, #tpu.memory_space<vmem_shared>>
      %dma_start3A_122 = tpu.memref_slice %arg5[%add3A_34] : memref<100352xf32, #tpu.memory_space<vmem_shared>> -> memref<1152xf32, #tpu.memory_space<vmem_shared>>
      %dma_start3A_123 = arith.constant 0 : i32
      %dma_start3A_124 = tpu.memref_slice %arg11[%dma_start3A_123] : memref<2560xf32, #tpu.memory_space<vmem>> -> memref<1152xf32, #tpu.memory_space<vmem>>
      tpu.enqueue_dma source(%dma_start3A_124 : memref<1152xf32, #tpu.memory_space<vmem>>) target(%dma_start3A_122 : memref<1152xf32, #tpu.memory_space<vmem_shared>>) target_semaphore(%run_scoped3A : memref<!tpu.dma_semaphore, #tpu.memory_space<semaphore_mem>>)
      %dma_wait3A_125 = arith.constant 0 : i32
      %dma_wait3A_126 = tpu.memref_slice %arg11[%dma_wait3A_125] : memref<2560xf32, #tpu.memory_space<vmem>> -> memref<1152xf32, #tpu.memory_space<vmem>>
      %dma_wait3A_127 = tpu.memref_slice %arg5[%add3A_34] : memref<100352xf32, #tpu.memory_space<vmem_shared>> -> memref<1152xf32, #tpu.memory_space<vmem_shared>>
      %dma_wait3A_128 = tpu.memref_slice %arg5[%add3A_34] : memref<100352xf32, #tpu.memory_space<vmem_shared>> -> memref<1152xf32, #tpu.memory_space<vmem_shared>>
      %dma_wait3A_129 = arith.constant 0 : i32
      %dma_wait3A_130 = tpu.memref_slice %arg11[%dma_wait3A_129] : memref<2560xf32, #tpu.memory_space<vmem>> -> memref<1152xf32, #tpu.memory_space<vmem>>
      tpu.wait_dma2 semaphore(%run_scoped3A : memref<!tpu.dma_semaphore, #tpu.memory_space<semaphore_mem>>) src(%dma_wait3A_130 : memref<1152xf32, #tpu.memory_space<vmem>>) dst(%dma_wait3A_128 : memref<1152xf32, #tpu.memory_space<vmem_shared>>)
      tpu.yield
    }) : () -> ()
    "tpu.region"() ({
      %run_scoped3A = tpu.sem_alloc : memref<!tpu.dma_semaphore, #tpu.memory_space<semaphore_mem>>
      tpu.enqueue_dma source(%arg2 : memref<100000xf32, #tpu.memory_space<hbm>>) target(%arg6 : memref<100000xf32, #tpu.memory_space<vmem>>) target_semaphore(%run_scoped3A : memref<!tpu.dma_semaphore, #tpu.memory_space<semaphore_mem>>)
      tpu.wait_dma2 semaphore(%run_scoped3A : memref<!tpu.dma_semaphore, #tpu.memory_space<semaphore_mem>>) src(%arg2 : memref<100000xf32, #tpu.memory_space<hbm>>) dst(%arg6 : memref<100000xf32, #tpu.memory_space<vmem>>)
      tpu.yield
    }) : () -> ()
    %barrier3A = arith.constant 0 : index
    tpu.barrier barrier_id(%barrier3A)
    %dma_wait3A = arith.constant 0 : i32
    %dma_wait3A_35 = arith.constant 0 : i32
    %dma_wait3A_36 = tpu.memref_slice %arg3[%dma_wait3A, %dma_wait3A_35] : memref<2x6400000xi32, #tpu.memory_space<hbm>> -> memref<2x2560xi32, #tpu.memory_space<hbm>>
    %dma_wait3A_37 = arith.constant 0 : i32
    %dma_wait3A_38 = arith.constant 0 : i32
    %dma_wait3A_39 = tpu.memref_slice %arg3[%dma_wait3A_37, %dma_wait3A_38] : memref<2x6400000xi32, #tpu.memory_space<hbm>> -> memref<2x2560xi32, #tpu.memory_space<hbm>>
    tpu.wait_dma2 semaphore(%arg13 : memref<!tpu.dma_semaphore, #tpu.memory_space<semaphore_mem>>) src(%dma_wait3A_39 : memref<2x2560xi32, #tpu.memory_space<hbm>>) dst(%arg7 : memref<2x2560xi32, #tpu.memory_space<vmem>>)
    %parallel_loop3A = arith.constant 0 : i32
    %parallel_loop3A_40 = arith.constant 2560 : i32
    %parallel_loop3A_41 = arith.constant 16 : i32
    scf.for %parallel_loop3A_119 = %parallel_loop3A to %parallel_loop3A_40 step %parallel_loop3A_41  : i32 {
      %parallel_loop3A_120 = arith.constant 0 : i32
      %parallel_loop3A_121 = arith.index_cast %parallel_loop3A_120 : i32 to index
      %parallel_loop3A_122 = arith.index_cast %parallel_loop3A_119 : i32 to index
      %parallel_loop3A_123 = tpu.vector_load %arg7[%parallel_loop3A_121, %parallel_loop3A_122] {strides = array<i32>} : memref<2x2560xi32, #tpu.memory_space<vmem>>, vector<16xi32>,
      %parallel_loop3A_124 = arith.index_cast %parallel_loop3A_119 : i32 to index
      %parallel_loop3A_125 = tpu.vector_load %arg9[%parallel_loop3A_124] {strides = array<i32>} : memref<2560xi32, #tpu.memory_space<vmem>>, vector<16xi32>,
      tpu.vector_store %arg9[%parallel_loop3A_124], %parallel_loop3A_123 {strides = array<i32>} : memref<2560xi32, #tpu.memory_space<vmem>>, vector<16xi32>,
      %parallel_loop3A_126 = arith.constant 1 : i32
      %parallel_loop3A_127 = arith.index_cast %parallel_loop3A_126 : i32 to index
      %parallel_loop3A_128 = arith.index_cast %parallel_loop3A_119 : i32 to index
      %parallel_loop3A_129 = tpu.vector_load %arg7[%parallel_loop3A_127, %parallel_loop3A_128] {strides = array<i32>} : memref<2x2560xi32, #tpu.memory_space<vmem>>, vector<16xi32>,
      %parallel_loop3A_130 = tpu.vector_load_idx %arg6[%parallel_loop3A_129] : memref<100000xf32, #tpu.memory_space<vmem>>[vector<16xi32>], vector<16xf32>,
      %parallel_loop3A_131 = arith.index_cast %parallel_loop3A_119 : i32 to index
      %parallel_loop3A_132 = tpu.vector_load %arg11[%parallel_loop3A_131] {strides = array<i32>} : memref<2560xf32, #tpu.memory_space<vmem>>, vector<16xf32>,
      tpu.vector_store %arg11[%parallel_loop3A_131], %parallel_loop3A_130 {strides = array<i32>} : memref<2560xf32, #tpu.memory_space<vmem>>, vector<16xf32>,
    } {sc.loop_unroll_factor = 16 : i64, sc.parallel_access}
    %gt3A = arith.constant 2 : i32
    %gt3A_42 = arith.cmpi sgt, %select_n3A, %gt3A : i32
    %convert_element_type3A = arith.extui %gt3A_42 : i1 to i32
    %cond3A = arith.constant 0 : i32
    %cond3A_43 = arith.cmpi ne, %convert_element_type3A, %cond3A : i32
    scf.if %cond3A_43 {
      %add3A_119 = arith.constant 64 : i32
      %add3A_120 = arith.addi %add3A, %add3A_119 : i32
      %mul3A_121 = arith.constant 2560 : i32
      %mul3A_122 = arith.muli %add3A_120, %mul3A_121 : i32
      %dma_start3A_123 = arith.constant 0 : i32
      %dma_start3A_124 = tpu.memref_slice %arg3[%dma_start3A_123, %mul3A_122] : memref<2x6400000xi32, #tpu.memory_space<hbm>> -> memref<2x2560xi32, #tpu.memory_space<hbm>>
      %dma_start3A_125 = arith.constant 0 : i32
      %dma_start3A_126 = tpu.memref_slice %arg3[%dma_start3A_125, %mul3A_122] : memref<2x6400000xi32, #tpu.memory_space<hbm>> -> memref<2x2560xi32, #tpu.memory_space<hbm>>
      tpu.enqueue_dma source(%dma_start3A_126 : memref<2x2560xi32, #tpu.memory_space<hbm>>) target(%arg7 : memref<2x2560xi32, #tpu.memory_space<vmem>>) target_semaphore(%arg13 : memref<!tpu.dma_semaphore, #tpu.memory_space<semaphore_mem>>)
    } else {
    }
    %dma_start3A_44 = arith.constant 0 : i32
    %dma_start3A_45 = tpu.memref_slice %arg5[%dma_start3A_44] : memref<100352xf32, #tpu.memory_space<vmem_shared>> -> memref<100352xf32, #tpu.memory_space<vmem_shared>>
    tpu.enqueue_indirect_dma source(%arg11 : memref<2560xf32, #tpu.memory_space<vmem>>) target(%dma_start3A_45 : memref<100352xf32, #tpu.memory_space<vmem_shared>>) offsets(%arg9 : memref<2560xi32, #tpu.memory_space<vmem>>) semaphore(%arg15 : memref<!tpu.dma_semaphore, #tpu.memory_space<semaphore_mem>>) {add = true}
    %dma_wait3A_46 = arith.constant 0 : i32
    %dma_wait3A_47 = arith.constant 0 : i32
    %dma_wait3A_48 = tpu.memref_slice %arg3[%dma_wait3A_46, %dma_wait3A_47] : memref<2x6400000xi32, #tpu.memory_space<hbm>> -> memref<2x2560xi32, #tpu.memory_space<hbm>>
    %dma_wait3A_49 = arith.constant 0 : i32
    %dma_wait3A_50 = arith.constant 0 : i32
    %dma_wait3A_51 = tpu.memref_slice %arg3[%dma_wait3A_49, %dma_wait3A_50] : memref<2x6400000xi32, #tpu.memory_space<hbm>> -> memref<2x2560xi32, #tpu.memory_space<hbm>>
    tpu.wait_dma2 semaphore(%arg14 : memref<!tpu.dma_semaphore, #tpu.memory_space<semaphore_mem>>) src(%dma_wait3A_51 : memref<2x2560xi32, #tpu.memory_space<hbm>>) dst(%arg8 : memref<2x2560xi32, #tpu.memory_space<vmem>>)
    %parallel_loop3A_52 = arith.constant 0 : i32
    %parallel_loop3A_53 = arith.constant 2560 : i32
    %parallel_loop3A_54 = arith.constant 16 : i32
    scf.for %parallel_loop3A_119 = %parallel_loop3A_52 to %parallel_loop3A_53 step %parallel_loop3A_54  : i32 {
      %parallel_loop3A_120 = arith.constant 0 : i32
      %parallel_loop3A_121 = arith.index_cast %parallel_loop3A_120 : i32 to index
      %parallel_loop3A_122 = arith.index_cast %parallel_loop3A_119 : i32 to index
      %parallel_loop3A_123 = tpu.vector_load %arg8[%parallel_loop3A_121, %parallel_loop3A_122] {strides = array<i32>} : memref<2x2560xi32, #tpu.memory_space<vmem>>, vector<16xi32>,
      %parallel_loop3A_124 = arith.index_cast %parallel_loop3A_119 : i32 to index
      %parallel_loop3A_125 = tpu.vector_load %arg10[%parallel_loop3A_124] {strides = array<i32>} : memref<2560xi32, #tpu.memory_space<vmem>>, vector<16xi32>,
      tpu.vector_store %arg10[%parallel_loop3A_124], %parallel_loop3A_123 {strides = array<i32>} : memref<2560xi32, #tpu.memory_space<vmem>>, vector<16xi32>,
      %parallel_loop3A_126 = arith.constant 1 : i32
      %parallel_loop3A_127 = arith.index_cast %parallel_loop3A_126 : i32 to index
      %parallel_loop3A_128 = arith.index_cast %parallel_loop3A_119 : i32 to index
      %parallel_loop3A_129 = tpu.vector_load %arg8[%parallel_loop3A_127, %parallel_loop3A_128] {strides = array<i32>} : memref<2x2560xi32, #tpu.memory_space<vmem>>, vector<16xi32>,
      %parallel_loop3A_130 = tpu.vector_load_idx %arg6[%parallel_loop3A_129] : memref<100000xf32, #tpu.memory_space<vmem>>[vector<16xi32>], vector<16xf32>,
      %parallel_loop3A_131 = arith.index_cast %parallel_loop3A_119 : i32 to index
      %parallel_loop3A_132 = tpu.vector_load %arg12[%parallel_loop3A_131] {strides = array<i32>} : memref<2560xf32, #tpu.memory_space<vmem>>, vector<16xf32>,
      tpu.vector_store %arg12[%parallel_loop3A_131], %parallel_loop3A_130 {strides = array<i32>} : memref<2560xf32, #tpu.memory_space<vmem>>, vector<16xf32>,
    } {sc.loop_unroll_factor = 16 : i64, sc.parallel_access}
    %gt3A_55 = arith.constant 3 : i32
    %gt3A_56 = arith.cmpi sgt, %select_n3A, %gt3A_55 : i32
    %convert_element_type3A_57 = arith.extui %gt3A_56 : i1 to i32
    %cond3A_58 = arith.constant 0 : i32
    %cond3A_59 = arith.cmpi ne, %convert_element_type3A_57, %cond3A_58 : i32
    scf.if %cond3A_59 {
      %add3A_119 = arith.constant 96 : i32
      %add3A_120 = arith.addi %add3A, %add3A_119 : i32
      %mul3A_121 = arith.constant 2560 : i32
      %mul3A_122 = arith.muli %add3A_120, %mul3A_121 : i32
      %dma_start3A_123 = arith.constant 0 : i32
      %dma_start3A_124 = tpu.memref_slice %arg3[%dma_start3A_123, %mul3A_122] : memref<2x6400000xi32, #tpu.memory_space<hbm>> -> memref<2x2560xi32, #tpu.memory_space<hbm>>
      %dma_start3A_125 = arith.constant 0 : i32
      %dma_start3A_126 = tpu.memref_slice %arg3[%dma_start3A_125, %mul3A_122] : memref<2x6400000xi32, #tpu.memory_space<hbm>> -> memref<2x2560xi32, #tpu.memory_space<hbm>>
      tpu.enqueue_dma source(%dma_start3A_126 : memref<2x2560xi32, #tpu.memory_space<hbm>>) target(%arg8 : memref<2x2560xi32, #tpu.memory_space<vmem>>) target_semaphore(%arg14 : memref<!tpu.dma_semaphore, #tpu.memory_space<semaphore_mem>>)
    } else {
    }
    %dma_start3A_60 = arith.constant 0 : i32
    %dma_start3A_61 = tpu.memref_slice %arg5[%dma_start3A_60] : memref<100352xf32, #tpu.memory_space<vmem_shared>> -> memref<100352xf32, #tpu.memory_space<vmem_shared>>
    tpu.enqueue_indirect_dma source(%arg12 : memref<2560xf32, #tpu.memory_space<vmem>>) target(%dma_start3A_61 : memref<100352xf32, #tpu.memory_space<vmem_shared>>) offsets(%arg10 : memref<2560xi32, #tpu.memory_space<vmem>>) semaphore(%arg16 : memref<!tpu.dma_semaphore, #tpu.memory_space<semaphore_mem>>) {add = true}
    %jit3A_62 = arith.constant 2 : i32
    %div3A = arith.divsi %select_n3A, %jit3A_62 : i32
    %sign3A = arith.constant 0 : i32
    %sign3A_63 = arith.cmpi sgt, %select_n3A, %sign3A : i32
    %sign3A_64 = arith.extui %sign3A_63 : i1 to i32
    %sign3A_65 = arith.constant 0 : i32
    %sign3A_66 = arith.cmpi slt, %select_n3A, %sign3A_65 : i32
    %sign3A_67 = arith.extui %sign3A_66 : i1 to i32
    %sign3A_68 = arith.subi %sign3A_64, %sign3A_67 : i32
    %sign3A_69 = arith.constant 0 : i32
    %sign3A_70 = arith.cmpi sgt, %jit3A_62, %sign3A_69 : i32
    %sign3A_71 = arith.extui %sign3A_70 : i1 to i32
    %sign3A_72 = arith.constant 0 : i32
    %sign3A_73 = arith.cmpi slt, %jit3A_62, %sign3A_72 : i32
    %sign3A_74 = arith.extui %sign3A_73 : i1 to i32
    %sign3A_75 = arith.subi %sign3A_71, %sign3A_74 : i32
    %ne3A = arith.cmpi ne, %sign3A_68, %sign3A_75 : i32
    %rem3A = arith.remsi %select_n3A, %jit3A_62 : i32
    %ne3A_76 = arith.constant 0 : i32
    %ne3A_77 = arith.cmpi ne, %rem3A, %ne3A_76 : i32
    %and3A = arith.andi %ne3A, %ne3A_77 : i1
    %sub3A = arith.constant 1 : i32
    %sub3A_78 = arith.subi %div3A, %sub3A : i32
    %select_n3A_79 = arith.select %and3A, %sub3A_78, %div3A : i32
    %while3A = arith.constant 0 : i32
    %while3A_80 = arith.constant 1 : i32
    %while3A_81 = arith.subi %select_n3A_79, %while3A_80 : i32
    %while3A_82 = arith.addi %while3A_80, %while3A_81 : i32
    %while3A_83 = arith.constant 1 : i32
    %while3A_84 = arith.divsi %while3A_81, %while3A_83 : i32
    %while3A_85 = arith.muli %while3A_84, %while3A_83 : i32
    %while3A_86 = arith.addi %while3A_80, %while3A_85 : i32
    %while3A_87 = arith.constant 1 : i32
    scf.for %while3A_119 = %while3A_80 to %while3A_86 step %while3A_87  : i32 {
      %mul3A_120 = arith.constant 2 : i32
      %mul3A_121 = arith.muli %mul3A_120, %while3A_119 : i32
      %dma_wait3A_122 = arith.constant 0 : i32
      %dma_wait3A_123 = arith.constant 0 : i32
      %dma_wait3A_124 = tpu.memref_slice %arg3[%dma_wait3A_122, %dma_wait3A_123] : memref<2x6400000xi32, #tpu.memory_space<hbm>> -> memref<2x2560xi32, #tpu.memory_space<hbm>>
      %dma_wait3A_125 = arith.constant 0 : i32
      %dma_wait3A_126 = arith.constant 0 : i32
      %dma_wait3A_127 = tpu.memref_slice %arg3[%dma_wait3A_125, %dma_wait3A_126] : memref<2x6400000xi32, #tpu.memory_space<hbm>> -> memref<2x2560xi32, #tpu.memory_space<hbm>>
      tpu.wait_dma2 semaphore(%arg13 : memref<!tpu.dma_semaphore, #tpu.memory_space<semaphore_mem>>) src(%dma_wait3A_127 : memref<2x2560xi32, #tpu.memory_space<hbm>>) dst(%arg7 : memref<2x2560xi32, #tpu.memory_space<vmem>>)
      %dma_wait3A_128 = arith.constant 0 : i32
      %dma_wait3A_129 = tpu.memref_slice %arg5[%dma_wait3A_128] : memref<100352xf32, #tpu.memory_space<vmem_shared>> -> memref<100352xf32, #tpu.memory_space<vmem_shared>>
      tpu.wait_indirect_dma semaphore(%arg15 : memref<!tpu.dma_semaphore, #tpu.memory_space<semaphore_mem>>) src(%arg11 : memref<2560xf32, #tpu.memory_space<vmem>>) dst(%dma_wait3A_129 : memref<100352xf32, #tpu.memory_space<vmem_shared>>)
      %parallel_loop3A_130 = arith.constant 0 : i32
      %parallel_loop3A_131 = arith.constant 2560 : i32
      %parallel_loop3A_132 = arith.constant 16 : i32
      scf.for %parallel_loop3A_164 = %parallel_loop3A_130 to %parallel_loop3A_131 step %parallel_loop3A_132  : i32 {
        %parallel_loop3A_165 = arith.constant 0 : i32
        %parallel_loop3A_166 = arith.index_cast %parallel_loop3A_165 : i32 to index
        %parallel_loop3A_167 = arith.index_cast %parallel_loop3A_164 : i32 to index
        %parallel_loop3A_168 = tpu.vector_load %arg7[%parallel_loop3A_166, %parallel_loop3A_167] {strides = array<i32>} : memref<2x2560xi32, #tpu.memory_space<vmem>>, vector<16xi32>,
        %parallel_loop3A_169 = arith.index_cast %parallel_loop3A_164 : i32 to index
        %parallel_loop3A_170 = tpu.vector_load %arg9[%parallel_loop3A_169] {strides = array<i32>} : memref<2560xi32, #tpu.memory_space<vmem>>, vector<16xi32>,
        tpu.vector_store %arg9[%parallel_loop3A_169], %parallel_loop3A_168 {strides = array<i32>} : memref<2560xi32, #tpu.memory_space<vmem>>, vector<16xi32>,
        %parallel_loop3A_171 = arith.constant 1 : i32
        %parallel_loop3A_172 = arith.index_cast %parallel_loop3A_171 : i32 to index
        %parallel_loop3A_173 = arith.index_cast %parallel_loop3A_164 : i32 to index
        %parallel_loop3A_174 = tpu.vector_load %arg7[%parallel_loop3A_172, %parallel_loop3A_173] {strides = array<i32>} : memref<2x2560xi32, #tpu.memory_space<vmem>>, vector<16xi32>,
        %parallel_loop3A_175 = tpu.vector_load_idx %arg6[%parallel_loop3A_174] : memref<100000xf32, #tpu.memory_space<vmem>>[vector<16xi32>], vector<16xf32>,
        %parallel_loop3A_176 = arith.index_cast %parallel_loop3A_164 : i32 to index
        %parallel_loop3A_177 = tpu.vector_load %arg11[%parallel_loop3A_176] {strides = array<i32>} : memref<2560xf32, #tpu.memory_space<vmem>>, vector<16xf32>,
        tpu.vector_store %arg11[%parallel_loop3A_176], %parallel_loop3A_175 {strides = array<i32>} : memref<2560xf32, #tpu.memory_space<vmem>>, vector<16xf32>,
      } {sc.loop_unroll_factor = 16 : i64, sc.parallel_access}
      %add3A_133 = arith.constant 2 : i32
      %add3A_134 = arith.addi %mul3A_121, %add3A_133 : i32
      %lt3A_135 = arith.cmpi slt, %add3A_134, %select_n3A : i32
      %convert_element_type3A_136 = arith.extui %lt3A_135 : i1 to i32
      %cond3A_137 = arith.constant 0 : i32
      %cond3A_138 = arith.cmpi ne, %convert_element_type3A_136, %cond3A_137 : i32
      scf.if %cond3A_138 {
        %add3A_164 = arith.constant 2 : i32
        %add3A_165 = arith.addi %mul3A_121, %add3A_164 : i32
        %mul3A_166 = arith.constant 32 : i32
        %mul3A_167 = arith.muli %add3A_165, %mul3A_166 : i32
        %add3A_168 = arith.addi %add3A, %mul3A_167 : i32
        %mul3A_169 = arith.constant 2560 : i32
        %mul3A_170 = arith.muli %add3A_168, %mul3A_169 : i32
        %dma_start3A_171 = arith.constant 0 : i32
        %dma_start3A_172 = tpu.memref_slice %arg3[%dma_start3A_171, %mul3A_170] : memref<2x6400000xi32, #tpu.memory_space<hbm>> -> memref<2x2560xi32, #tpu.memory_space<hbm>>
        %dma_start3A_173 = arith.constant 0 : i32
        %dma_start3A_174 = tpu.memref_slice %arg3[%dma_start3A_173, %mul3A_170] : memref<2x6400000xi32, #tpu.memory_space<hbm>> -> memref<2x2560xi32, #tpu.memory_space<hbm>>
        tpu.enqueue_dma source(%dma_start3A_174 : memref<2x2560xi32, #tpu.memory_space<hbm>>) target(%arg7 : memref<2x2560xi32, #tpu.memory_space<vmem>>) target_semaphore(%arg13 : memref<!tpu.dma_semaphore, #tpu.memory_space<semaphore_mem>>)
      } else {
      }
      %dma_start3A_139 = arith.constant 0 : i32
      %dma_start3A_140 = tpu.memref_slice %arg5[%dma_start3A_139] : memref<100352xf32, #tpu.memory_space<vmem_shared>> -> memref<100352xf32, #tpu.memory_space<vmem_shared>>
      tpu.enqueue_indirect_dma source(%arg11 : memref<2560xf32, #tpu.memory_space<vmem>>) target(%dma_start3A_140 : memref<100352xf32, #tpu.memory_space<vmem_shared>>) offsets(%arg9 : memref<2560xi32, #tpu.memory_space<vmem>>) semaphore(%arg15 : memref<!tpu.dma_semaphore, #tpu.memory_space<semaphore_mem>>) {add = true}
      %mul3A_141 = arith.constant 2 : i32
      %mul3A_142 = arith.muli %mul3A_141, %while3A_119 : i32
      %add3A_143 = arith.constant 1 : i32
      %add3A_144 = arith.addi %mul3A_142, %add3A_143 : i32
      %dma_wait3A_145 = arith.constant 0 : i32
      %dma_wait3A_146 = arith.constant 0 : i32
      %dma_wait3A_147 = tpu.memref_slice %arg3[%dma_wait3A_145, %dma_wait3A_146] : memref<2x6400000xi32, #tpu.memory_space<hbm>> -> memref<2x2560xi32, #tpu.memory_space<hbm>>
      %dma_wait3A_148 = arith.constant 0 : i32
      %dma_wait3A_149 = arith.constant 0 : i32
      %dma_wait3A_150 = tpu.memref_slice %arg3[%dma_wait3A_148, %dma_wait3A_149] : memref<2x6400000xi32, #tpu.memory_space<hbm>> -> memref<2x2560xi32, #tpu.memory_space<hbm>>
      tpu.wait_dma2 semaphore(%arg14 : memref<!tpu.dma_semaphore, #tpu.memory_space<semaphore_mem>>) src(%dma_wait3A_150 : memref<2x2560xi32, #tpu.memory_space<hbm>>) dst(%arg8 : memref<2x2560xi32, #tpu.memory_space<vmem>>)
      %dma_wait3A_151 = arith.constant 0 : i32
      %dma_wait3A_152 = tpu.memref_slice %arg5[%dma_wait3A_151] : memref<100352xf32, #tpu.memory_space<vmem_shared>> -> memref<100352xf32, #tpu.memory_space<vmem_shared>>
      tpu.wait_indirect_dma semaphore(%arg16 : memref<!tpu.dma_semaphore, #tpu.memory_space<semaphore_mem>>) src(%arg12 : memref<2560xf32, #tpu.memory_space<vmem>>) dst(%dma_wait3A_152 : memref<100352xf32, #tpu.memory_space<vmem_shared>>)
      %parallel_loop3A_153 = arith.constant 0 : i32
      %parallel_loop3A_154 = arith.constant 2560 : i32
      %parallel_loop3A_155 = arith.constant 16 : i32
      scf.for %parallel_loop3A_164 = %parallel_loop3A_153 to %parallel_loop3A_154 step %parallel_loop3A_155  : i32 {
        %parallel_loop3A_165 = arith.constant 0 : i32
        %parallel_loop3A_166 = arith.index_cast %parallel_loop3A_165 : i32 to index
        %parallel_loop3A_167 = arith.index_cast %parallel_loop3A_164 : i32 to index
        %parallel_loop3A_168 = tpu.vector_load %arg8[%parallel_loop3A_166, %parallel_loop3A_167] {strides = array<i32>} : memref<2x2560xi32, #tpu.memory_space<vmem>>, vector<16xi32>,
        %parallel_loop3A_169 = arith.index_cast %parallel_loop3A_164 : i32 to index
        %parallel_loop3A_170 = tpu.vector_load %arg10[%parallel_loop3A_169] {strides = array<i32>} : memref<2560xi32, #tpu.memory_space<vmem>>, vector<16xi32>,
        tpu.vector_store %arg10[%parallel_loop3A_169], %parallel_loop3A_168 {strides = array<i32>} : memref<2560xi32, #tpu.memory_space<vmem>>, vector<16xi32>,
        %parallel_loop3A_171 = arith.constant 1 : i32
        %parallel_loop3A_172 = arith.index_cast %parallel_loop3A_171 : i32 to index
        %parallel_loop3A_173 = arith.index_cast %parallel_loop3A_164 : i32 to index
        %parallel_loop3A_174 = tpu.vector_load %arg8[%parallel_loop3A_172, %parallel_loop3A_173] {strides = array<i32>} : memref<2x2560xi32, #tpu.memory_space<vmem>>, vector<16xi32>,
        %parallel_loop3A_175 = tpu.vector_load_idx %arg6[%parallel_loop3A_174] : memref<100000xf32, #tpu.memory_space<vmem>>[vector<16xi32>], vector<16xf32>,
        %parallel_loop3A_176 = arith.index_cast %parallel_loop3A_164 : i32 to index
        %parallel_loop3A_177 = tpu.vector_load %arg12[%parallel_loop3A_176] {strides = array<i32>} : memref<2560xf32, #tpu.memory_space<vmem>>, vector<16xf32>,
        tpu.vector_store %arg12[%parallel_loop3A_176], %parallel_loop3A_175 {strides = array<i32>} : memref<2560xf32, #tpu.memory_space<vmem>>, vector<16xf32>,
      } {sc.loop_unroll_factor = 16 : i64, sc.parallel_access}
      %add3A_156 = arith.constant 2 : i32
      %add3A_157 = arith.addi %add3A_144, %add3A_156 : i32
      %lt3A_158 = arith.cmpi slt, %add3A_157, %select_n3A : i32
      %convert_element_type3A_159 = arith.extui %lt3A_158 : i1 to i32
      %cond3A_160 = arith.constant 0 : i32
      %cond3A_161 = arith.cmpi ne, %convert_element_type3A_159, %cond3A_160 : i32
      scf.if %cond3A_161 {
        %add3A_164 = arith.constant 2 : i32
        %add3A_165 = arith.addi %add3A_144, %add3A_164 : i32
        %mul3A_166 = arith.constant 32 : i32
        %mul3A_167 = arith.muli %add3A_165, %mul3A_166 : i32
        %add3A_168 = arith.addi %add3A, %mul3A_167 : i32
        %mul3A_169 = arith.constant 2560 : i32
        %mul3A_170 = arith.muli %add3A_168, %mul3A_169 : i32
        %dma_start3A_171 = arith.constant 0 : i32
        %dma_start3A_172 = tpu.memref_slice %arg3[%dma_start3A_171, %mul3A_170] : memref<2x6400000xi32, #tpu.memory_space<hbm>> -> memref<2x2560xi32, #tpu.memory_space<hbm>>
        %dma_start3A_173 = arith.constant 0 : i32
        %dma_start3A_174 = tpu.memref_slice %arg3[%dma_start3A_173, %mul3A_170] : memref<2x6400000xi32, #tpu.memory_space<hbm>> -> memref<2x2560xi32, #tpu.memory_space<hbm>>
        tpu.enqueue_dma source(%dma_start3A_174 : memref<2x2560xi32, #tpu.memory_space<hbm>>) target(%arg8 : memref<2x2560xi32, #tpu.memory_space<vmem>>) target_semaphore(%arg14 : memref<!tpu.dma_semaphore, #tpu.memory_space<semaphore_mem>>)
      } else {
      }
      %dma_start3A_162 = arith.constant 0 : i32
      %dma_start3A_163 = tpu.memref_slice %arg5[%dma_start3A_162] : memref<100352xf32, #tpu.memory_space<vmem_shared>> -> memref<100352xf32, #tpu.memory_space<vmem_shared>>
      tpu.enqueue_indirect_dma source(%arg12 : memref<2560xf32, #tpu.memory_space<vmem>>) target(%dma_start3A_163 : memref<100352xf32, #tpu.memory_space<vmem_shared>>) offsets(%arg10 : memref<2560xi32, #tpu.memory_space<vmem>>) semaphore(%arg16 : memref<!tpu.dma_semaphore, #tpu.memory_space<semaphore_mem>>) {add = true}
    }
    %while3A_88 = arith.constant 1 : i32
    scf.for %while3A_119 = %while3A_86 to %while3A_82 step %while3A_88  : i32 {
      %mul3A_120 = arith.constant 2 : i32
      %mul3A_121 = arith.muli %mul3A_120, %while3A_119 : i32
      %dma_wait3A_122 = arith.constant 0 : i32
      %dma_wait3A_123 = arith.constant 0 : i32
      %dma_wait3A_124 = tpu.memref_slice %arg3[%dma_wait3A_122, %dma_wait3A_123] : memref<2x6400000xi32, #tpu.memory_space<hbm>> -> memref<2x2560xi32, #tpu.memory_space<hbm>>
      %dma_wait3A_125 = arith.constant 0 : i32
      %dma_wait3A_126 = arith.constant 0 : i32
      %dma_wait3A_127 = tpu.memref_slice %arg3[%dma_wait3A_125, %dma_wait3A_126] : memref<2x6400000xi32, #tpu.memory_space<hbm>> -> memref<2x2560xi32, #tpu.memory_space<hbm>>
      tpu.wait_dma2 semaphore(%arg13 : memref<!tpu.dma_semaphore, #tpu.memory_space<semaphore_mem>>) src(%dma_wait3A_127 : memref<2x2560xi32, #tpu.memory_space<hbm>>) dst(%arg7 : memref<2x2560xi32, #tpu.memory_space<vmem>>)
      %dma_wait3A_128 = arith.constant 0 : i32
      %dma_wait3A_129 = tpu.memref_slice %arg5[%dma_wait3A_128] : memref<100352xf32, #tpu.memory_space<vmem_shared>> -> memref<100352xf32, #tpu.memory_space<vmem_shared>>
      tpu.wait_indirect_dma semaphore(%arg15 : memref<!tpu.dma_semaphore, #tpu.memory_space<semaphore_mem>>) src(%arg11 : memref<2560xf32, #tpu.memory_space<vmem>>) dst(%dma_wait3A_129 : memref<100352xf32, #tpu.memory_space<vmem_shared>>)
      %parallel_loop3A_130 = arith.constant 0 : i32
      %parallel_loop3A_131 = arith.constant 2560 : i32
      %parallel_loop3A_132 = arith.constant 16 : i32
      scf.for %parallel_loop3A_164 = %parallel_loop3A_130 to %parallel_loop3A_131 step %parallel_loop3A_132  : i32 {
        %parallel_loop3A_165 = arith.constant 0 : i32
        %parallel_loop3A_166 = arith.index_cast %parallel_loop3A_165 : i32 to index
        %parallel_loop3A_167 = arith.index_cast %parallel_loop3A_164 : i32 to index
        %parallel_loop3A_168 = tpu.vector_load %arg7[%parallel_loop3A_166, %parallel_loop3A_167] {strides = array<i32>} : memref<2x2560xi32, #tpu.memory_space<vmem>>, vector<16xi32>,
        %parallel_loop3A_169 = arith.index_cast %parallel_loop3A_164 : i32 to index
        %parallel_loop3A_170 = tpu.vector_load %arg9[%parallel_loop3A_169] {strides = array<i32>} : memref<2560xi32, #tpu.memory_space<vmem>>, vector<16xi32>,
        tpu.vector_store %arg9[%parallel_loop3A_169], %parallel_loop3A_168 {strides = array<i32>} : memref<2560xi32, #tpu.memory_space<vmem>>, vector<16xi32>,
        %parallel_loop3A_171 = arith.constant 1 : i32
        %parallel_loop3A_172 = arith.index_cast %parallel_loop3A_171 : i32 to index
        %parallel_loop3A_173 = arith.index_cast %parallel_loop3A_164 : i32 to index
        %parallel_loop3A_174 = tpu.vector_load %arg7[%parallel_loop3A_172, %parallel_loop3A_173] {strides = array<i32>} : memref<2x2560xi32, #tpu.memory_space<vmem>>, vector<16xi32>,
        %parallel_loop3A_175 = tpu.vector_load_idx %arg6[%parallel_loop3A_174] : memref<100000xf32, #tpu.memory_space<vmem>>[vector<16xi32>], vector<16xf32>,
        %parallel_loop3A_176 = arith.index_cast %parallel_loop3A_164 : i32 to index
        %parallel_loop3A_177 = tpu.vector_load %arg11[%parallel_loop3A_176] {strides = array<i32>} : memref<2560xf32, #tpu.memory_space<vmem>>, vector<16xf32>,
        tpu.vector_store %arg11[%parallel_loop3A_176], %parallel_loop3A_175 {strides = array<i32>} : memref<2560xf32, #tpu.memory_space<vmem>>, vector<16xf32>,
      } {sc.loop_unroll_factor = 16 : i64, sc.parallel_access}
      %add3A_133 = arith.constant 2 : i32
      %add3A_134 = arith.addi %mul3A_121, %add3A_133 : i32
      %lt3A_135 = arith.cmpi slt, %add3A_134, %select_n3A : i32
      %convert_element_type3A_136 = arith.extui %lt3A_135 : i1 to i32
      %cond3A_137 = arith.constant 0 : i32
      %cond3A_138 = arith.cmpi ne, %convert_element_type3A_136, %cond3A_137 : i32
      scf.if %cond3A_138 {
        %add3A_164 = arith.constant 2 : i32
        %add3A_165 = arith.addi %mul3A_121, %add3A_164 : i32
        %mul3A_166 = arith.constant 32 : i32
        %mul3A_167 = arith.muli %add3A_165, %mul3A_166 : i32
        %add3A_168 = arith.addi %add3A, %mul3A_167 : i32
        %mul3A_169 = arith.constant 2560 : i32
        %mul3A_170 = arith.muli %add3A_168, %mul3A_169 : i32
        %dma_start3A_171 = arith.constant 0 : i32
        %dma_start3A_172 = tpu.memref_slice %arg3[%dma_start3A_171, %mul3A_170] : memref<2x6400000xi32, #tpu.memory_space<hbm>> -> memref<2x2560xi32, #tpu.memory_space<hbm>>
        %dma_start3A_173 = arith.constant 0 : i32
        %dma_start3A_174 = tpu.memref_slice %arg3[%dma_start3A_173, %mul3A_170] : memref<2x6400000xi32, #tpu.memory_space<hbm>> -> memref<2x2560xi32, #tpu.memory_space<hbm>>
        tpu.enqueue_dma source(%dma_start3A_174 : memref<2x2560xi32, #tpu.memory_space<hbm>>) target(%arg7 : memref<2x2560xi32, #tpu.memory_space<vmem>>) target_semaphore(%arg13 : memref<!tpu.dma_semaphore, #tpu.memory_space<semaphore_mem>>)
      } else {
      }
      %dma_start3A_139 = arith.constant 0 : i32
      %dma_start3A_140 = tpu.memref_slice %arg5[%dma_start3A_139] : memref<100352xf32, #tpu.memory_space<vmem_shared>> -> memref<100352xf32, #tpu.memory_space<vmem_shared>>
      tpu.enqueue_indirect_dma source(%arg11 : memref<2560xf32, #tpu.memory_space<vmem>>) target(%dma_start3A_140 : memref<100352xf32, #tpu.memory_space<vmem_shared>>) offsets(%arg9 : memref<2560xi32, #tpu.memory_space<vmem>>) semaphore(%arg15 : memref<!tpu.dma_semaphore, #tpu.memory_space<semaphore_mem>>) {add = true}
      %mul3A_141 = arith.constant 2 : i32
      %mul3A_142 = arith.muli %mul3A_141, %while3A_119 : i32
      %add3A_143 = arith.constant 1 : i32
      %add3A_144 = arith.addi %mul3A_142, %add3A_143 : i32
      %dma_wait3A_145 = arith.constant 0 : i32
      %dma_wait3A_146 = arith.constant 0 : i32
      %dma_wait3A_147 = tpu.memref_slice %arg3[%dma_wait3A_145, %dma_wait3A_146] : memref<2x6400000xi32, #tpu.memory_space<hbm>> -> memref<2x2560xi32, #tpu.memory_space<hbm>>
      %dma_wait3A_148 = arith.constant 0 : i32
      %dma_wait3A_149 = arith.constant 0 : i32
      %dma_wait3A_150 = tpu.memref_slice %arg3[%dma_wait3A_148, %dma_wait3A_149] : memref<2x6400000xi32, #tpu.memory_space<hbm>> -> memref<2x2560xi32, #tpu.memory_space<hbm>>
      tpu.wait_dma2 semaphore(%arg14 : memref<!tpu.dma_semaphore, #tpu.memory_space<semaphore_mem>>) src(%dma_wait3A_150 : memref<2x2560xi32, #tpu.memory_space<hbm>>) dst(%arg8 : memref<2x2560xi32, #tpu.memory_space<vmem>>)
      %dma_wait3A_151 = arith.constant 0 : i32
      %dma_wait3A_152 = tpu.memref_slice %arg5[%dma_wait3A_151] : memref<100352xf32, #tpu.memory_space<vmem_shared>> -> memref<100352xf32, #tpu.memory_space<vmem_shared>>
      tpu.wait_indirect_dma semaphore(%arg16 : memref<!tpu.dma_semaphore, #tpu.memory_space<semaphore_mem>>) src(%arg12 : memref<2560xf32, #tpu.memory_space<vmem>>) dst(%dma_wait3A_152 : memref<100352xf32, #tpu.memory_space<vmem_shared>>)
      %parallel_loop3A_153 = arith.constant 0 : i32
      %parallel_loop3A_154 = arith.constant 2560 : i32
      %parallel_loop3A_155 = arith.constant 16 : i32
      scf.for %parallel_loop3A_164 = %parallel_loop3A_153 to %parallel_loop3A_154 step %parallel_loop3A_155  : i32 {
        %parallel_loop3A_165 = arith.constant 0 : i32
        %parallel_loop3A_166 = arith.index_cast %parallel_loop3A_165 : i32 to index
        %parallel_loop3A_167 = arith.index_cast %parallel_loop3A_164 : i32 to index
        %parallel_loop3A_168 = tpu.vector_load %arg8[%parallel_loop3A_166, %parallel_loop3A_167] {strides = array<i32>} : memref<2x2560xi32, #tpu.memory_space<vmem>>, vector<16xi32>,
        %parallel_loop3A_169 = arith.index_cast %parallel_loop3A_164 : i32 to index
        %parallel_loop3A_170 = tpu.vector_load %arg10[%parallel_loop3A_169] {strides = array<i32>} : memref<2560xi32, #tpu.memory_space<vmem>>, vector<16xi32>,
        tpu.vector_store %arg10[%parallel_loop3A_169], %parallel_loop3A_168 {strides = array<i32>} : memref<2560xi32, #tpu.memory_space<vmem>>, vector<16xi32>,
        %parallel_loop3A_171 = arith.constant 1 : i32
        %parallel_loop3A_172 = arith.index_cast %parallel_loop3A_171 : i32 to index
        %parallel_loop3A_173 = arith.index_cast %parallel_loop3A_164 : i32 to index
        %parallel_loop3A_174 = tpu.vector_load %arg8[%parallel_loop3A_172, %parallel_loop3A_173] {strides = array<i32>} : memref<2x2560xi32, #tpu.memory_space<vmem>>, vector<16xi32>,
        %parallel_loop3A_175 = tpu.vector_load_idx %arg6[%parallel_loop3A_174] : memref<100000xf32, #tpu.memory_space<vmem>>[vector<16xi32>], vector<16xf32>,
        %parallel_loop3A_176 = arith.index_cast %parallel_loop3A_164 : i32 to index
        %parallel_loop3A_177 = tpu.vector_load %arg12[%parallel_loop3A_176] {strides = array<i32>} : memref<2560xf32, #tpu.memory_space<vmem>>, vector<16xf32>,
        tpu.vector_store %arg12[%parallel_loop3A_176], %parallel_loop3A_175 {strides = array<i32>} : memref<2560xf32, #tpu.memory_space<vmem>>, vector<16xf32>,
      } {sc.loop_unroll_factor = 16 : i64, sc.parallel_access}
      %add3A_156 = arith.constant 2 : i32
      %add3A_157 = arith.addi %add3A_144, %add3A_156 : i32
      %lt3A_158 = arith.cmpi slt, %add3A_157, %select_n3A : i32
      %convert_element_type3A_159 = arith.extui %lt3A_158 : i1 to i32
      %cond3A_160 = arith.constant 0 : i32
      %cond3A_161 = arith.cmpi ne, %convert_element_type3A_159, %cond3A_160 : i32
      scf.if %cond3A_161 {
        %add3A_164 = arith.constant 2 : i32
        %add3A_165 = arith.addi %add3A_144, %add3A_164 : i32
        %mul3A_166 = arith.constant 32 : i32
        %mul3A_167 = arith.muli %add3A_165, %mul3A_166 : i32
        %add3A_168 = arith.addi %add3A, %mul3A_167 : i32
        %mul3A_169 = arith.constant 2560 : i32
        %mul3A_170 = arith.muli %add3A_168, %mul3A_169 : i32
        %dma_start3A_171 = arith.constant 0 : i32
        %dma_start3A_172 = tpu.memref_slice %arg3[%dma_start3A_171, %mul3A_170] : memref<2x6400000xi32, #tpu.memory_space<hbm>> -> memref<2x2560xi32, #tpu.memory_space<hbm>>
        %dma_start3A_173 = arith.constant 0 : i32
        %dma_start3A_174 = tpu.memref_slice %arg3[%dma_start3A_173, %mul3A_170] : memref<2x6400000xi32, #tpu.memory_space<hbm>> -> memref<2x2560xi32, #tpu.memory_space<hbm>>
        tpu.enqueue_dma source(%dma_start3A_174 : memref<2x2560xi32, #tpu.memory_space<hbm>>) target(%arg8 : memref<2x2560xi32, #tpu.memory_space<vmem>>) target_semaphore(%arg14 : memref<!tpu.dma_semaphore, #tpu.memory_space<semaphore_mem>>)
      } else {
      }
      %dma_start3A_162 = arith.constant 0 : i32
      %dma_start3A_163 = tpu.memref_slice %arg5[%dma_start3A_162] : memref<100352xf32, #tpu.memory_space<vmem_shared>> -> memref<100352xf32, #tpu.memory_space<vmem_shared>>
      tpu.enqueue_indirect_dma source(%arg12 : memref<2560xf32, #tpu.memory_space<vmem>>) target(%dma_start3A_163 : memref<100352xf32, #tpu.memory_space<vmem_shared>>) offsets(%arg10 : memref<2560xi32, #tpu.memory_space<vmem>>) semaphore(%arg16 : memref<!tpu.dma_semaphore, #tpu.memory_space<semaphore_mem>>) {add = true}
    }
    %jit3A_89 = arith.constant 2 : i32
    %eq3A = arith.constant 0 : i32
    %eq3A_90 = arith.cmpi eq, %jit3A_89, %eq3A : i32
    %jit3A_91 = arith.constant 1 : i32
    %select_n3A_92 = arith.select %eq3A_90, %jit3A_91, %jit3A_89 : i32
    %rem3A_93 = arith.remsi %select_n3A, %select_n3A_92 : i32
    %ne3A_94 = arith.constant 0 : i32
    %ne3A_95 = arith.cmpi ne, %rem3A_93, %ne3A_94 : i32
    %lt3A_96 = arith.constant 0 : i32
    %lt3A_97 = arith.cmpi slt, %rem3A_93, %lt3A_96 : i32
    %lt3A_98 = arith.constant 0 : i32
    %lt3A_99 = arith.cmpi slt, %select_n3A_92, %lt3A_98 : i32
    %ne3A_100 = arith.xori %lt3A_97, %lt3A_99 : i1
    %and3A_101 = arith.andi %ne3A_100, %ne3A_95 : i1
    %add3A_102 = arith.addi %rem3A_93, %select_n3A_92 : i32
    %select_n3A_103 = arith.select %and3A_101, %add3A_102, %rem3A_93 : i32
    %eq3A_104 = arith.constant 1 : i32
    %eq3A_105 = arith.cmpi eq, %select_n3A_103, %eq3A_104 : i32
    %convert_element_type3A_106 = arith.extui %eq3A_105 : i1 to i32
    %cond3A_107 = arith.constant 0 : i32
    %cond3A_108 = arith.cmpi ne, %convert_element_type3A_106, %cond3A_107 : i32
    scf.if %cond3A_108 {
      %dma_wait3A_119 = arith.constant 0 : i32
      %dma_wait3A_120 = arith.constant 0 : i32
      %dma_wait3A_121 = tpu.memref_slice %arg3[%dma_wait3A_119, %dma_wait3A_120] : memref<2x6400000xi32, #tpu.memory_space<hbm>> -> memref<2x2560xi32, #tpu.memory_space<hbm>>
      %dma_wait3A_122 = arith.constant 0 : i32
      %dma_wait3A_123 = arith.constant 0 : i32
      %dma_wait3A_124 = tpu.memref_slice %arg3[%dma_wait3A_122, %dma_wait3A_123] : memref<2x6400000xi32, #tpu.memory_space<hbm>> -> memref<2x2560xi32, #tpu.memory_space<hbm>>
      tpu.wait_dma2 semaphore(%arg13 : memref<!tpu.dma_semaphore, #tpu.memory_space<semaphore_mem>>) src(%dma_wait3A_124 : memref<2x2560xi32, #tpu.memory_space<hbm>>) dst(%arg7 : memref<2x2560xi32, #tpu.memory_space<vmem>>)
      %dma_wait3A_125 = arith.constant 0 : i32
      %dma_wait3A_126 = tpu.memref_slice %arg5[%dma_wait3A_125] : memref<100352xf32, #tpu.memory_space<vmem_shared>> -> memref<100352xf32, #tpu.memory_space<vmem_shared>>
      tpu.wait_indirect_dma semaphore(%arg15 : memref<!tpu.dma_semaphore, #tpu.memory_space<semaphore_mem>>) src(%arg11 : memref<2560xf32, #tpu.memory_space<vmem>>) dst(%dma_wait3A_126 : memref<100352xf32, #tpu.memory_space<vmem_shared>>)
      %parallel_loop3A_127 = arith.constant 0 : i32
      %parallel_loop3A_128 = arith.constant 2560 : i32
      %parallel_loop3A_129 = arith.constant 16 : i32
      scf.for %parallel_loop3A_132 = %parallel_loop3A_127 to %parallel_loop3A_128 step %parallel_loop3A_129  : i32 {
        %parallel_loop3A_133 = arith.constant 0 : i32
        %parallel_loop3A_134 = arith.index_cast %parallel_loop3A_133 : i32 to index
        %parallel_loop3A_135 = arith.index_cast %parallel_loop3A_132 : i32 to index
        %parallel_loop3A_136 = tpu.vector_load %arg7[%parallel_loop3A_134, %parallel_loop3A_135] {strides = array<i32>} : memref<2x2560xi32, #tpu.memory_space<vmem>>, vector<16xi32>,
        %parallel_loop3A_137 = arith.index_cast %parallel_loop3A_132 : i32 to index
        %parallel_loop3A_138 = tpu.vector_load %arg9[%parallel_loop3A_137] {strides = array<i32>} : memref<2560xi32, #tpu.memory_space<vmem>>, vector<16xi32>,
        tpu.vector_store %arg9[%parallel_loop3A_137], %parallel_loop3A_136 {strides = array<i32>} : memref<2560xi32, #tpu.memory_space<vmem>>, vector<16xi32>,
        %parallel_loop3A_139 = arith.constant 1 : i32
        %parallel_loop3A_140 = arith.index_cast %parallel_loop3A_139 : i32 to index
        %parallel_loop3A_141 = arith.index_cast %parallel_loop3A_132 : i32 to index
        %parallel_loop3A_142 = tpu.vector_load %arg7[%parallel_loop3A_140, %parallel_loop3A_141] {strides = array<i32>} : memref<2x2560xi32, #tpu.memory_space<vmem>>, vector<16xi32>,
        %parallel_loop3A_143 = tpu.vector_load_idx %arg6[%parallel_loop3A_142] : memref<100000xf32, #tpu.memory_space<vmem>>[vector<16xi32>], vector<16xf32>,
        %parallel_loop3A_144 = arith.index_cast %parallel_loop3A_132 : i32 to index
        %parallel_loop3A_145 = tpu.vector_load %arg11[%parallel_loop3A_144] {strides = array<i32>} : memref<2560xf32, #tpu.memory_space<vmem>>, vector<16xf32>,
        tpu.vector_store %arg11[%parallel_loop3A_144], %parallel_loop3A_143 {strides = array<i32>} : memref<2560xf32, #tpu.memory_space<vmem>>, vector<16xf32>,
      } {sc.loop_unroll_factor = 16 : i64, sc.parallel_access}
      %dma_start3A_130 = arith.constant 0 : i32
      %dma_start3A_131 = tpu.memref_slice %arg5[%dma_start3A_130] : memref<100352xf32, #tpu.memory_space<vmem_shared>> -> memref<100352xf32, #tpu.memory_space<vmem_shared>>
      tpu.enqueue_indirect_dma source(%arg11 : memref<2560xf32, #tpu.memory_space<vmem>>) target(%dma_start3A_131 : memref<100352xf32, #tpu.memory_space<vmem_shared>>) offsets(%arg9 : memref<2560xi32, #tpu.memory_space<vmem>>) semaphore(%arg15 : memref<!tpu.dma_semaphore, #tpu.memory_space<semaphore_mem>>) {add = true}
    } else {
    }
    %dma_wait3A_109 = arith.constant 0 : i32
    %dma_wait3A_110 = tpu.memref_slice %arg5[%dma_wait3A_109] : memref<100352xf32, #tpu.memory_space<vmem_shared>> -> memref<100352xf32, #tpu.memory_space<vmem_shared>>
    tpu.wait_indirect_dma semaphore(%arg15 : memref<!tpu.dma_semaphore, #tpu.memory_space<semaphore_mem>>) src(%arg11 : memref<2560xf32, #tpu.memory_space<vmem>>) dst(%dma_wait3A_110 : memref<100352xf32, #tpu.memory_space<vmem_shared>>)
    %dma_wait3A_111 = arith.constant 0 : i32
    %dma_wait3A_112 = tpu.memref_slice %arg5[%dma_wait3A_111] : memref<100352xf32, #tpu.memory_space<vmem_shared>> -> memref<100352xf32, #tpu.memory_space<vmem_shared>>
    tpu.wait_indirect_dma semaphore(%arg16 : memref<!tpu.dma_semaphore, #tpu.memory_space<semaphore_mem>>) src(%arg12 : memref<2560xf32, #tpu.memory_space<vmem>>) dst(%dma_wait3A_112 : memref<100352xf32, #tpu.memory_space<vmem_shared>>)
    %barrier3A_113 = arith.constant 0 : index
    tpu.barrier barrier_id(%barrier3A_113)
    %eq3A_114 = arith.constant 0 : i32
    %eq3A_115 = arith.cmpi eq, %arg1, %eq3A_114 : i32
    %convert_element_type3A_116 = arith.extui %eq3A_115 : i1 to i32
    %cond3A_117 = arith.constant 0 : i32
    %cond3A_118 = arith.cmpi ne, %convert_element_type3A_116, %cond3A_117 : i32
    scf.if %cond3A_118 {
      %mul3A_119 = arith.constant 100352 : i32
      %mul3A_120 = arith.muli %arg0, %mul3A_119 : i32
      "tpu.region"() ({
        %run_scoped3A = tpu.sem_alloc : memref<!tpu.dma_semaphore, #tpu.memory_space<semaphore_mem>>
        %dma_start3A_121 = tpu.memref_slice %arg4[%mul3A_120] : memref<200704xf32, #tpu.memory_space<hbm>> -> memref<100352xf32, #tpu.memory_space<hbm>>
        tpu.enqueue_dma source(%arg5 : memref<100352xf32, #tpu.memory_space<vmem_shared>>) target(%dma_start3A_121 : memref<100352xf32, #tpu.memory_space<hbm>>) target_semaphore(%run_scoped3A : memref<!tpu.dma_semaphore, #tpu.memory_space<semaphore_mem>>)
        %dma_wait3A_122 = tpu.memref_slice %arg4[%mul3A_120] : memref<200704xf32, #tpu.memory_space<hbm>> -> memref<100352xf32, #tpu.memory_space<hbm>>
        tpu.wait_dma2 semaphore(%run_scoped3A : memref<!tpu.dma_semaphore, #tpu.memory_space<semaphore_mem>>) src(%arg5 : memref<100352xf32, #tpu.memory_space<vmem_shared>>) dst(%dma_wait3A_122 : memref<100352xf32, #tpu.memory_space<hbm>>)
        tpu.yield
      }) : () -> ()
    } else {
    }
    return
  }
}

</mosaic_0001>

<sc_bundles>
// kernel: _segment_partials.3.cloned.1.call-start
scs
__scs_entry_jumppad:
0x0: {  	(pc) =	sbr.rel $0x88, $3  }
0x1: {  	(tag) =	ssettag $0x0;
	lr =	simm.s32 $0x1  }
0x2: {  	[smem:$0x3F9F] =	sst lr;
	_ =	strace $0xD0000000  }
0x3: {  	_ = 	snop  }
0x4: {  	_ = 	snop  }
0x5: {  	_ = 	snop  }
0x6: {  	_ = 	snop  }
0x7: {  	_ = 	snop  }
__scs_overlays_trampoline_lowered:
0x8: {  	[smem:$0x3FAE] =	sst s0  }
0x9: {  	[smem:$0x3FAF] =	sst s1  }
0xa: {  	[smem:$0x3FB0] =	sst s2  }
0xb: {  	[smem:$0x3FB1] =	sst s3  }
0xc: {  	[smem:$0x3FB2] =	sst s4  }
0xd: {  	[smem:$0x3FB3] =	sst s5  }
0xe: {  	[smem:$0x3FB4] =	sst s6  }
0xf: {  	[smem:$0x3FB5] =	sst s7  }
0x10: {  	[smem:$0x3FB6] =	sst s8  }
0x11: {  	[smem:$0x3FB7] =	sst s9;
	s0 =	simm.s32 @!p0 $0x0  }
0x12: {  	s1 =	sld [smem:$0x3F9D];
	s0 =	simm.s32 @p0 $0x1  }
0x13: {  	[smem:$0x3FB8] =	sst s0;
	s0 =	simm.s32 @!p1 $0x0  }
0x14: {  	s2 =	sld [smem:$0x3F9C];
	s0 =	simm.s32 @p1 $0x1  }
0x15: {  	[smem:$0x3FB9] =	sst s0;
	s0 =	simm.s32 @!p2 $0x0  }
0x16: {  	s3 =	sld [smem:$0x3FDB];
	s0 =	simm.s32 @p2 $0x1  }
0x17: {  	s4 =	simm.s32 $0x1BF5;
	[smem:$0x3FBB] =	sst s0  }
0x18: {  	s0 =	sld [smem:$0x3F9E];
	_ =	swait.ge [sflag:s4], $0x0  }
0x19: {  	s7 =	sld [smem:$0x3F9F]  }
0x1a: {  	s8 =	sadd.s32 $0xFFFFE003, lr  }
0x1b: {  	s9 =	sadd.s32 $0xFFFFFEF7, lr;
	s5 =	simm.s32 $0xFFFFFFFF;
	p2 =	slt.u32 s8, $0xFFFFF086  }
0x1c: {  	p1 =	slt.u32 s9, $0xF7A;
	s5 =	simm.s32 @!p2 $0x0  }
0x1d: {  	s5 =	simm.s32 @p1 $0x1;
	p0 =	seq.s32 s7, s2  }
0x1e: {  	s7 =	smul.u32 @!p0 $0xF7A, s2;
	p2 =	seq.s32 @!p0 s5, $0x0  }
0x1f: {  	s9 =	smul.u32 $0xF7A, s1;
	s8 =	simm.s32 @!p0 $0x1BF5;
	p2 =	por !p2, p0  }
0x20: {  	[sflag:s8] =	ssyncset.s32 @!p0 $0xFFFFF086;
	s6 =	sadd.s32 @!p0 s3, s7;
	s7 =	simm.s32 @!p0 $0x108  }
0x21: {  	s3 =	sadd.s32 s3, s9;
	s6 =	sadd.s32 @!p0 $0x88, s6;
	s7 =	simm.s32 @p2 $0x1082  }
0x22: {  	[simem:s7], [sflag:s8] =	dma.local @!p0 [hbm:s6], $0xF7A  }
0x23: {  	s9 =	sor.u32 $0xD0000000, s2;
	s6 =	simm.s32 $0x108;
	_ =	swait.ge @!p0 [sflag:s8], $0x0  }
0x24: {  	s3 =	sadd.s32 $0x88, s3;
	s6 =	simm.s32 @!p1 $0x1082;
	[sflag:s4] =	ssyncset.s32 $0xFFFFF086  }
0x25: {  	[simem:s6], [sflag:s4] =	dma.local [hbm:s3], $0xF7A  }
0x26: {  	[smem:$0x3F9F] =	sst s1;
	(tag) =	ssettag s2;
	_ =	strace s9  }
0x27: {  	s1 =	sld [smem:$0x3FAF]  }
0x28: {  	s2 =	sld [smem:$0x3FB0]  }
0x29: {  	s4 =	sld [smem:$0x3FB2]  }
0x2a: {  	p0 =	seq.s32 s5, $0x0;
	s5 =	sld [smem:$0x3FB3]  }
0x2b: {  	s6 =	sld [smem:$0x3FB4]  }
0x2c: {  	s7 =	sld [smem:$0x3FB5]  }
0x2d: {  	s3 =	simm.s32 $0x108;
	s8 =	sld [smem:$0x3FB6]  }
0x2e: {  	s3 =	simm.s32 @!p0 $0x1082;
	s9 =	sld [smem:$0x3FB7]  }
0x2f: {  	lr =	sadd.s32 s0, s3;
	s0 =	sld [smem:$0x3FAE]  }
0x30: {  	s3 =	sld [smem:$0x3FB1]  }
0x31: {  	[smem:$0x3FBA] =	sst s10  }
0x32: {  	s10 =	sld [smem:$0x3FB8];
	_ =	sdelay $0x3  }
0x33: {  	p0 =	seq.s32 s10, $0x1;
	s10 =	sld [smem:$0x3FBA];
	_ =	sdelay $0x3  }
0x34: {  	[smem:$0x3FBA] =	sst s10  }
0x35: {  	s10 =	sld [smem:$0x3FB9];
	_ =	sdelay $0x3  }
0x36: {  	p1 =	seq.s32 s10, $0x1;
	s10 =	sld [smem:$0x3FBA];
	_ =	sdelay $0x3  }
0x37: {  	[smem:$0x3FBA] =	sst s10  }
0x38: {  	s10 =	sld [smem:$0x3FBB]  }
0x39: {  	_ = 	snop;
	(pc) =	sbr.ind lr, $3  }
0x3a: {  	_ = 	snop  }
0x3b: {  	_ = 	snop  }
0x3c: {  	p2 =	seq.s32 s10, $0x1;
	s10 =	sld [smem:$0x3FBA]  }
0x3d: {  	_ =	shalt  }
0x3e: {  	_ =	shalt  }
0x3f: {  	_ =	shalt  }
0x40: {  	_ =	shalt  }
0x41: {  	_ =	shalt  }
0x42: {  	_ =	shalt  }
0x43: {  	_ =	shalt  }
0x44: {  	_ =	shalt  }
0x45: {  	_ =	shalt  }
0x46: {  	_ =	shalt  }
0x47: {  	_ =	shalt  }
0x48: {  	_ =	shalt  }
0x49: {  	_ =	shalt  }
0x4a: {  	_ =	shalt  }
0x4b: {  	_ =	shalt  }
0x4c: {  	_ =	shalt  }
0x4d: {  	_ =	shalt  }
0x4e: {  	_ =	shalt  }
0x4f: {  	_ =	shalt  }
0x50: {  	_ =	shalt  }
0x51: {  	_ =	shalt  }
0x52: {  	_ =	shalt  }
0x53: {  	_ =	shalt  }
0x54: {  	_ =	shalt  }
0x55: {  	_ =	shalt  }
0x56: {  	_ =	shalt  }
0x57: {  	_ =	shalt  }
0x58: {  	_ =	shalt  }
0x59: {  	_ =	shalt  }
0x5a: {  	_ =	shalt  }
0x5b: {  	_ =	shalt  }
0x5c: {  	_ =	shalt  }
0x5d: {  	_ =	shalt  }
0x5e: {  	_ =	shalt  }
0x5f: {  	_ =	shalt  }
0x60: {  	_ =	shalt  }
0x61: {  	_ =	shalt  }
0x62: {  	_ =	shalt  }
0x63: {  	_ =	shalt  }
0x64: {  	_ =	shalt  }
0x65: {  	_ =	shalt  }
0x66: {  	_ =	shalt  }
0x67: {  	_ =	shalt  }
0x68: {  	_ =	shalt  }
0x69: {  	_ =	shalt  }
0x6a: {  	_ =	shalt  }
0x6b: {  	_ =	shalt  }
0x6c: {  	_ =	shalt  }
0x6d: {  	_ =	shalt  }
0x6e: {  	_ =	shalt  }
0x6f: {  	_ =	shalt  }
0x70: {  	_ =	shalt  }
0x71: {  	_ =	shalt  }
0x72: {  	_ =	shalt  }
0x73: {  	_ =	shalt  }
0x74: {  	_ =	shalt  }
0x75: {  	_ =	shalt  }
0x76: {  	_ =	shalt  }
0x77: {  	_ =	shalt  }
0x78: {  	_ =	shalt  }
0x79: {  	_ =	shalt  }
0x7a: {  	_ =	shalt  }
0x7b: {  	_ =	shalt  }
0x7c: {  	_ =	shalt  }
0x7d: {  	_ =	shalt  }
0x7e: {  	_ =	shalt  }
0x7f: {  	_ =	shalt  }
0x80: {  	_ =	shalt  }
0x81: {  	_ =	shalt  }
0x82: {  	_ =	shalt  }
0x83: {  	_ =	shalt  }
0x84: {  	_ =	shalt  }
0x85: {  	_ =	shalt  }
0x86: {  	_ =	shalt  }
0x87: {  	_ =	shalt  }
.Lfunc_end0:
.L_simem_size_0:
called_computation_lowered:
.L_overlay_start_0:
0x88: {  	s2 =	sld [smem:$0x3FD9]  }
0x89: {  	s3 =	sld [smem:$0x3FFE];
	_ =	sdelay $0x1  }
0x8a: {  	s1 =	srdreg.scid  }
0x8b: {  	s0 =	sand.u32 $0x1, s1  }
0x8c: {  	s18 =	sshll.u32 s0, $0xA;
	s2 =	sadd.s32 s3, s2  }
0x8d: {  	s2 =	sadd.s32 s2, s18  }
0x8e: {  	[smem:$0x3FC6] =	sst s2  }
0x8f: {  	_ = 	snop  }
0x90: {  	s2 =	sld [smem:$0x3FC9]  }
0x91: {  	s19 =	sld [smem:$0x3FC8]  }
0x92: {  	s4 =	sld [smem:$0x3FD0];
	(tm) =	ssettm $0x1  }
0x93: {  	s5 =	sld [smem:$0x3FFB];
	_ =	sdelay $0x3  }
0x94: {  	_ =	strace s5  }
0x95: {  	s5 =	sld [smem:$0x3FFC];
	_ =	sdelay $0x3  }
0x96: {  	_ =	strace s5  }
0x97: {  	s5 =	sld [smem:$0x3FFD];
	_ =	sdelay $0x3  }
0x98: {  	_ =	strace s5  }
0x99: {  	_ =	strace $0x8FFFFFFF  }
0x9a: {  	s20 =	sld [smem:$0x3FDB];
	_ =	sdelay $0x1  }
0x9b: {  	s6 =	simm.s32 $_scs_section_size  }
0x9c: {  	s7 =	simm.s32 $_size__tile_overlayer_lowered;
	s8 =	simm.s32 $_tile_overlayer_lowered  }
0x9d: {  	s23 =	simm.s32 $0x1BFF;
	s22 =	sshll.u32 s8, $0x1;
	s5 =	sadd.s32 s6, s20  }
0x9e: {  	s9 =	simm.s32 $0x0;
	s21 =	sshll.u32 s7, $0x1;
	s7 =	sadd.s32 s22, s5  }
0x9f: {  	[timem:s9], [sflag:s23] =	dma.local [hbm:s7], s21  }
0xa0: {  	_ =	swait.ge [sflag:s23], s21  }
0xa1: {  	s6 =	ssub.s32 $0x0, s21;
	[sflag:s23] =	ssyncset.done $0x0  }
0xa2: {  	[sflag:s23] =	ssyncadd.s32 s6;
	_ =	sdelay $0x1  }
0xa3: {  	s24 =	simm.s32 $0x1B8B  }
0xa4: {  	_ =	swait.ge [sflag:s24], $0x1  }
0xa5: {  	[sflag:s24] =	ssyncset.done $0x0  }
0xa6: {  	s25 =	simm.s32 $0x1B8E;
	[sflag:s24] =	ssyncadd.s32 $0xFFFFFFFF  }
0xa7: {  	s26 =	simm.s32 $execute0_lowered;
	[smem:$0x3FD2] =	sst s25  }
0xa8: {  	s6 =	sshll.u32 s26, $0x1;
	_ =	strace $0x80000046;
	[dreg:$0x1] =	wrdreg $0xFFFFFFFF  }
0xa9: {  	s28 =	simm.s32 $_size_execute0_lowered;
	s5 =	sadd.s32 s5, s6;
	[dreg:$0x0] =	wrdreg $0x0  }
0xaa: {  	s6 =	sshll.u32 s28, $0x1;
	[dreg:$0x2] =	wrdreg s5  }
0xab: {  	[dreg:$0x3] =	wrdreg s6  }
0xac: {  	[dreg:$0x4] =	wrdreg $0xC0  }
0xad: {  	_ =	task [dreg:s9], $0x5FFFF  }
0xae: {  	[dreg:$0x1] =	wrdreg $0xFFFFFFFF  }
0xaf: {  	[dreg:$0x0] =	wrdreg $0x60  }
0xb0: {  	[dreg:$0x2] =	wrdreg s2  }
0xb1: {  	[dreg:$0x3] =	wrdreg s19  }
0xb2: {  	[dreg:$0x4] =	wrdreg s4  }
0xb3: {  	[dreg:$0x5] =	wrdreg $0x0  }
0xb4: {  	[dreg:$0x6] =	wrdreg $0x9  }
0xb5: {  	_ =	task.clear_ibuf [dreg:s9], $0x7FFFF;
	_ =	strace $0x90000046  }
0xb6: {  	s29 =	simm.s32 $0x9;
	_ =	strace $0x80000048  }
0xb7: {  	_ =	swait.ge [sflag:s29], $0x1  }
0xb8: {  	[sflag:s29] =	ssyncadd.s32 $0xFFFFFFFF  }
0xb9: {  	_ =	strace $0x90000048  }
0xba: {  	_ =	sfence  }
0xbb: {  	s30 =	sld [smem:$0x0];
	_ =	sdelay $0x2  }
0xbc: {  	s31 =	sshll.u32 s1, $0xD;
	s1 =	sshrl.u32 s1, $0x2  }
0xbd: {  	s3 =	sand.u32 $0x4000, s31;
	s1 =	sadd.s32 s1, s30  }
0xbe: {  	s0 =	sor.u32 s3, s0;
	s1 =	sshll.u32 s1, $0x11  }
0xbf: {  	s0 =	sor.u32 s1, s0  }
0xc0: {  	s0 =	sadd.s32 $0x8F2B, s0  }
0xc1: {  	[sflag:s0] =	ssyncadd.remote.s32 $0x1  }
0xc2: {  	_ =	sfence.sel $0xFFFF  }
0xc3: {  	[dreg:$0x0] =	wrdreg $0xFFFFFFFF;
	(pc) =	sbr.abs _section_cstart, $3  }
0xc4: {  	[dreg:$0x1] =	wrdreg $0xFFFFFFFF  }
0xc5: {  	_ =	task.clear_ibuf [dreg:s9], $0x2FFFF;
	_ =	strace $0x9FFFFFFF  }
0xc6: {  	(tm) =	ssettm $0x7FFFFFFF  }
0xc7: {  	_ =	shalt  }
tec
execute0_lowered:
.L_overlay_start_1:
0x0: {  	(tag) =	ssettag $0x1  }
0x1: {  	s2 =	rddreg [dreg:$0x1]  }
0x2: {  	s0 =	rddreg [dreg:$0x2]  }
0x3: {  	s3 =	rddreg [dreg:$0x3]  }
0x4: {  	s1 =	srdreg.scid;
	s4 =	simm.s32 $0x0;
	s7 =	stileid.u32  }
0x5: {  	s31 =	simm.s32 $0x19F80;
	s18 =	simm.s32 $0x1DB80;
	s19 =	simm.s32 $0x5  }
0x6: {  	s20 =	simm.s32 $0x1880;
	s21 =	simm.s32 $0x1;
	s22 =	simm.s32 $0xA00  }
0x7: {  	s23 =	simm.s32 $0x1C780;
	s28 =	simm.s32 $0x3;
	s29 =	simm.s32 $0x4  }
0x8: {  	s30 =	simm.s32 $0x0;
	s1 =	sand.u32 $0x1, s1;
	[smem:$0x7FF] =	sst s4  }
0x9: {  	s24 =	smul.u32 $0x6200, s7;
	s5 =	sshll.u32 s1, $0x4;
	s6 =	ssub.s32 $0x2, s1  }
0xa: {  	_ =	strace $0x80000047;
	s1 =	smul.u32 $0x3100, s1;
	s5 =	sor.u32 s7, s5  }
0xb: {  	s8 =	sshrl.u32 s6, $0x1;
	s25 =	sshrl.u32 s24, $0x2;
	s24 =	simm.s32 $0x2  }
0xc: {  	s9 =	smul.u32 $0x1400, s5;
	s15 =	ssub.s32 s6, s8;
	p0 =	slt.u32 s5, $0x4  }
0xd: {  	s6 =	simm.s32 $0x4F;
	s10 =	smul.u32 $0x280, s5;
	s14 =	sadd.s32 s0, s1  }
0xe: {  	s6 =	simm.s32 @!p0 $0x4E;
	s15 =	smax.u32 s15, $0x1;
	p0 =	sne.s32 s7, $0x0  }
.Ltmp0:
0xf: {  	s9 =	sshrl.u32 s9, $0x3;
	s26 =	sadd.s32 s2, s10;
	(pc) =	sbr.rel .LBB2_1-.Ltmp0, $4  }
0x10: {  	s16 =	sand.u32 $0x1, s6;
	s13 =	sadd.s32 s2, s9;
	[dreg:$0x5] =	wrdreg s26  }
0x11: {  	s9 =	sadd.s32 s25, s3;
	p1 =	seq.s32 s16, $0x0;
	s25 =	simm.s32 $0x1D180  }
0x12: {  	s26 =	simm.s32 $0x1E580;
	s8 =	sadd.s32 $0x5000, s13;
	s10 =	sadd.s32 $0xA00, s9  }
0x13: {  	v0 =	vimm.f32 $0.0e+00;
	s11 =	sadd.s32 $0x1400, s9;
	s12 =	sadd.s32 $0xA000, s13;
	s13 =	sadd.s32 $0xF000, s13  }
.LBB2_17:
0x14: {  	_ =	swait.ge [sflag:s28], $0xA00  }
0x15: {  	[sflag:s28] =	ssyncset.done $0x0  }
0x16: {  	[sflag:s28] =	ssyncadd.s32 $0xFFFFF600  }
0x17: {  	_ =	swait.ge [sflag:s29], $0xA00  }
0x18: {  	[sflag:s29] =	ssyncset.done $0x0  }
0x19: {  	s0 =	sshrl.u32 @!p0 s3, $0x3;
	s30 =	sadd.s32 $0x1, s30;
	[sflag:s29] =	ssyncadd.s32 $0xFFFFF600  }
0x1a: {  	s1 =	simm.s32 @!p0 $0x1C05;
	p2 =	sne.s32 s30, s15;
	[bflag:$0x0] =	sbarrier.arrive $0xFFFF  }
0x1b: {  	[hbm:s14], [sflag:s1] =	dma.local @!p0 [spmem:s0], $0x3100  }
.Ltmp1:
0x1c: {  	_ = 	snop;
	(pc) =	sbr.rel @!p2 .LBB2_18-.Ltmp1, $4  }
0x1d: {  	s0 =	simm.s32 @!p0 $0x5  }
0x1e: {  	_ =	swait.ge @!p0 [sflag:s0], $0x3100  }
0x1f: {  	[sflag:s0] =	ssyncset.done @!p0 $0x0  }
0x20: {  	[sflag:s0] =	ssyncadd.s32 @!p0 $0xFFFFCF00  }
.LBB2_1:
0x21: {  	s0 =	rddreg [dreg:$0x5]  }
0x22: {  	[tilespmem:s31], [sflag:$0x1] =	stream.linear.gather [hbm4b:s0+s4], $0x1400, $0x38;
	[tilespmem:$0x1EF80] =	vst v63  }
0x23: {  	s17 =	simm.s32 $0x1B380;
	s1 =	simm.s32 $0x0;
	s0 =	simm.s32 $0x40  }
0x24: {  	[tilespmem:s17], [sflag:$0x2] =	stream.linear.gather [hbm4b:s8+s4], $0x1400, $0x38;
	[tilespmem:$0x1EF80] =	vst v63  }
.LBB2_2:
0x25: {  	p2 =	sne.s32 s0, $0x27C0;
	[tilespmem:s1+$0x1DB80] =	vst v0;
	s1 =	smov.u32 s0;
	s0 =	sadd.s32 $0x40, s0  }
.Ltmp2:
0x26: {  	(pc) =	sbr.rel @p2 .LBB2_2-.Ltmp2, $2  }
0x27: {  	_ =	sdelay $0x2  }
0x28: {  	s1 =	sshra.s32 s1, $0x2  }
0x29: {  	[tilespmem:s1+$0x1DB80] =	vst v0  }
0x2a: {  	[spmem:s9] =	stream.linear.scatter [tilespmem:s18], [sflag:$0x5], $0xA00, $0x38;
	[tilespmem:$0x1EF80] =	vst v63  }
0x2b: {  	_ =	swait.ge [sflag:s19], $0xA00  }
0x2c: {  	[sflag:s19] =	ssyncset.done $0x0  }
0x2d: {  	[sflag:s19] =	ssyncadd.s32 $0xFFFFF600  }
0x2e: {  	[spmem:s10] =	stream.linear.scatter [tilespmem:s18], [sflag:$0x5], $0xA00, $0x38;
	[tilespmem:$0x1EF80] =	vst v63  }
0x2f: {  	_ =	swait.ge [sflag:s19], $0xA00  }
0x30: {  	[sflag:s19] =	ssyncset.done $0x0  }
0x31: {  	[sflag:s19] =	ssyncadd.s32 $0xFFFFF600  }
0x32: {  	[spmem:s11] =	stream.linear.scatter [tilespmem:s18], [sflag:$0x5], $0x480, $0x38;
	[tilespmem:$0x1EF80] =	vst v63  }
0x33: {  	_ =	swait.ge [sflag:s19], $0x480  }
0x34: {  	[sflag:s19] =	ssyncset.done $0x0  }
0x35: {  	[sflag:s19] =	ssyncadd.s32 $0xFFFFFB80  }
0x36: {  	s0 =	rddreg [dreg:$0x0]  }
0x37: {  	[tilespmem:s20], [sflag:$0x5] =	stream.linear.gather [hbm4b:s0+s4], $0x18700, $0x38;
	[tilespmem:$0x1EF80] =	vst v63  }
0x38: {  	_ =	swait.ge [sflag:s19], $0x18700  }
0x39: {  	[sflag:s19] =	ssyncset.done $0x0  }
0x3a: {  	[sflag:s19] =	ssyncadd.s32 $0xFFFE7900  }
0x3b: {  	[bflag:$0x0] =	sbarrier.arrive $0xFFFF  }
0x3c: {  	_ =	swait.ge [sflag:s21], $0x1400  }
0x3d: {  	[sflag:s21] =	ssyncset.done $0x0  }
0x3e: {  	s17 =	simm.s32 $0x1A080;
	[sflag:s21] =	ssyncadd.s32 $0xFFFFEC00  }
0x3f: {  	v1 =	vld [tilespmem:s17+$0x70]  }
0x40: {  	v2 =	vld [tilespmem:s17+$0xFFFFFF10]  }
0x41: {  	v3 =	vld [tilespmem:s17+$0xFFFFFF20]  }
0x42: {  	v4 =	vld [tilespmem:s17+$0xFFFFFF30]  }
0x43: {  	v5 =	vld [tilespmem:s17+$0xFFFFFF40]  }
0x44: {  	v6 =	vld [tilespmem:s17+$0xFFFFFF50]  }
0x45: {  	v7 =	vld [tilespmem:s17+$0xFFFFFF60]  }
0x46: {  	v8 =	vld [tilespmem:s17+$0xFFFFFF70]  }
0x47: {  	v9 =	vld [tilespmem:s17+$0x0]  }
0x48: {  	v10 =	vld [tilespmem:s17+$0x10]  }
0x49: {  	v11 =	vld [tilespmem:s17+$0x20]  }
0x4a: {  	v12 =	vld [tilespmem:s17+$0x30]  }
0x4b: {  	v13 =	vld [tilespmem:s17+$0x40]  }
0x4c: {  	s0 =	simm.s32 $0x1C800;
	v14 =	vld [tilespmem:s17+$0x50]  }
0x4d: {  	v15 =	vld [tilespmem:s17+$0x60];
	[tilespmem:s0+$0x70] =	vst v1  }
0x4e: {  	[tilespmem:s0+$0xFFFFFF90] =	vst v2;
	v2 =	vld [tilespmem:s17+$0xFFFFFF00]  }
0x4f: {  	[tilespmem:s0+$0xFFFFFFA0] =	vst v3;
	v1 =	vld [tilespmem:s17+$0xF0]  }
0x50: {  	[tilespmem:s0+$0xFFFFFFB0] =	vst v4;
	v3 =	vld [tilespmem:s17+$0xFFFFFF90]  }
0x51: {  	[tilespmem:s0+$0xFFFFFFC0] =	vst v5;
	v4 =	vld [tilespmem:s17+$0xFFFFFFA0]  }
0x52: {  	[tilespmem:s0+$0xFFFFFFD0] =	vst v6;
	v5 =	vld [tilespmem:s17+$0xFFFFFFB0]  }
0x53: {  	[tilespmem:s0+$0xFFFFFFE0] =	vst v7;
	v6 =	vld [tilespmem:s17+$0xFFFFFFC0]  }
0x54: {  	[tilespmem:s0+$0xFFFFFFF0] =	vst v8;
	v8 =	vld [tilespmem:s17+$0xFFFFFFE0]  }
0x55: {  	[tilespmem:s0+$0x0] =	vst v9;
	v56 =	vld [tilespmem:s17+$0xFFFFFFF0]  }
0x56: {  	[tilespmem:s0+$0x10] =	vst v10;
	v57 =	vld [tilespmem:s17+$0x80]  }
0x57: {  	[tilespmem:s0+$0x20] =	vst v11;
	v58 =	vld [tilespmem:s17+$0x90]  }
0x58: {  	[tilespmem:s0+$0x30] =	vst v12;
	v59 =	vld [tilespmem:s17+$0xA0]  }
0x59: {  	[tilespmem:s0+$0x40] =	vst v13;
	v60 =	vld [tilespmem:s17+$0xB0]  }
0x5a: {  	v61 =	vld [tilespmem:s17+$0xC0];
	[tilespmem:s0+$0xFFFFFF80] =	vst v2  }
0x5b: {  	[tilespmem:s0+$0x50] =	vst v14;
	v7 =	vld [tilespmem:s17+$0xFFFFFF80]  }
0x5c: {  	[tilespmem:s0+$0x60] =	vst v15;
	v62 =	vld [tilespmem:s17+$0xD0]  }
0x5d: {  	v16 =	vld [tilespmem:s17+$0xE0]  }
0x5e: {  	v2 =	vld [tilespmem:s17+$0xFFFFFFD0]  }
0x5f: {  	v1 =	vld.idx.msk [tilespmem:v1+s20+$0x0], $0xffff  }
0x60: {  	v3 =	vld.idx.msk [tilespmem:v3+s20+$0x0], $0xffff  }
0x61: {  	v4 =	vld.idx.msk [tilespmem:v4+s20+$0x0], $0xffff  }
0x62: {  	v5 =	vld.idx.msk [tilespmem:v5+s20+$0x0], $0xffff  }
0x63: {  	v7 =	vld.idx.msk [tilespmem:v7+s20+$0x0], $0xffff  }
0x64: {  	s1 =	simm.s32 $0x1DC00;
	v6 =	vld.idx.msk [tilespmem:v6+s20+$0x0], $0xffff  }
0x65: {  	v63 =	vld.idx.msk [tilespmem:v57+s20+$0x0], $0xffff;
	[tilespmem:s1+$0x70] =	vst v1  }
0x66: {  	v1 =	vld.idx.msk [tilespmem:v2+s20+$0x0], $0xffff;
	[tilespmem:s1+$0xFFFFFF90] =	vst v3  }
0x67: {  	[tilespmem:s1+$0xFFFFFFA0] =	vst v4;
	v2 =	vld.idx.msk [tilespmem:v58+s20+$0x0], $0xffff  }
0x68: {  	[tilespmem:s1+$0xFFFFFF80] =	vst v7;
	v7 =	vld.idx.msk [tilespmem:v8+s20+$0x0], $0xffff  }
0x69: {  	[tilespmem:s1+$0xFFFFFFB0] =	vst v5;
	v8 =	vld.idx.msk [tilespmem:v56+s20+$0x0], $0xffff  }
0x6a: {  	[tilespmem:s1+$0xFFFFFFC0] =	vst v6;
	v3 =	vld.idx.msk [tilespmem:v59+s20+$0x0], $0xffff  }
0x6b: {  	v4 =	vld.idx.msk [tilespmem:v60+s20+$0x0], $0xffff;
	[tilespmem:s1+$0x0] =	vst v63  }
0x6c: {  	v5 =	vld.idx.msk [tilespmem:v61+s20+$0x0], $0xffff;
	[tilespmem:s1+$0xFFFFFFD0] =	vst v1  }
0x6d: {  	v6 =	vld.idx.msk [tilespmem:v62+s20+$0x0], $0xffff;
	[tilespmem:s1+$0xFFFFFFE0] =	vst v7  }
0x6e: {  	s16 =	simm.s32 $0x0;
	s17 =	simm.s32 $0x1A280;
	v1 =	vld.idx.msk [tilespmem:v16+s20+$0x0], $0xffff;
	[tilespmem:s1+$0xFFFFFFF0] =	vst v8  }
.LBB2_4:
0x6f: {  	v7 =	vld [tilespmem:s17+$0x70];
	s16 =	sadd.s32 $0x100, s16;
	[tilespmem:s1+$0x10] =	vst v2  }
0x70: {  	v2 =	vld [tilespmem:s17+$0xFFFFFF10];
	p2 =	slt.u32 s16, $0x900;
	[tilespmem:s1+$0x20] =	vst v3  }
0x71: {  	v3 =	vld [tilespmem:s17+$0xFFFFFF20];
	[tilespmem:s1+$0x30] =	vst v4  }
0x72: {  	v4 =	vld [tilespmem:s17+$0xFFFFFF30];
	[tilespmem:s1+$0x40] =	vst v5  }
0x73: {  	s0 =	sadd.s32 $0x100, s0;
	v5 =	vld [tilespmem:s17+$0xFFFFFF40];
	[tilespmem:s1+$0x50] =	vst v6  }
0x74: {  	v6 =	vld [tilespmem:s17+$0xFFFFFF50];
	[tilespmem:s0+$0x70] =	vst v7  }
0x75: {  	[tilespmem:s0+$0xFFFFFF90] =	vst v2;
	v2 =	vld [tilespmem:s17+$0xF0]  }
0x76: {  	[tilespmem:s0+$0xFFFFFFA0] =	vst v3;
	v3 =	vld [tilespmem:s17+$0xFFFFFF60]  }
0x77: {  	[tilespmem:s0+$0xFFFFFFB0] =	vst v4;
	v4 =	vld [tilespmem:s17+$0xFFFFFF70]  }
0x78: {  	[tilespmem:s0+$0xFFFFFFC0] =	vst v5;
	v5 =	vld [tilespmem:s17+$0x0]  }
0x79: {  	[tilespmem:s0+$0xFFFFFFD0] =	vst v6;
	v6 =	vld [tilespmem:s17+$0x10]  }
0x7a: {  	v7 =	vld [tilespmem:s17+$0x20];
	[tilespmem:s1+$0x60] =	vst v1  }
0x7b: {  	[tilespmem:s0+$0xFFFFFFE0] =	vst v3;
	v1 =	vld [tilespmem:s17+$0x30]  }
0x7c: {  	[tilespmem:s0+$0xFFFFFFF0] =	vst v4;
	v3 =	vld [tilespmem:s17+$0x40]  }
0x7d: {  	[tilespmem:s0+$0x0] =	vst v5;
	v2 =	vld.idx.msk [tilespmem:v2+s20+$0x0], $0xffff  }
0x7e: {  	[tilespmem:s0+$0x10] =	vst v6;
	v4 =	vld [tilespmem:s17+$0x50]  }
0x7f: {  	[tilespmem:s0+$0x20] =	vst v7;
	v5 =	vld [tilespmem:s17+$0x60]  }
0x80: {  	v6 =	vld [tilespmem:s17+$0xFFFFFF00];
	[tilespmem:s0+$0x30] =	vst v1  }
0x81: {  	v1 =	vld [tilespmem:s17+$0xFFFFFF90];
	[tilespmem:s0+$0x40] =	vst v3  }
0x82: {  	s1 =	sadd.s32 $0x100, s1;
	v3 =	vld [tilespmem:s17+$0xFFFFFFA0]  }
0x83: {  	v7 =	vld [tilespmem:s17+$0xFFFFFFB0];
	[tilespmem:s1+$0x70] =	vst v2  }
0x84: {  	v2 =	vld [tilespmem:s17+$0xFFFFFFC0];
	[tilespmem:s0+$0x50] =	vst v4  }
0x85: {  	[tilespmem:s0+$0xFFFFFF80] =	vst v6;
	v4 =	vld [tilespmem:s17+$0xFFFFFFD0]  }
0x86: {  	v6 =	vld [tilespmem:s17+$0xFFFFFF80];
	[tilespmem:s0+$0x60] =	vst v5  }
0x87: {  	v5 =	vld [tilespmem:s17+$0xFFFFFFE0]  }
0x88: {  	v8 =	vld [tilespmem:s17+$0xFFFFFFF0]  }
0x89: {  	v9 =	vld [tilespmem:s17+$0x80]  }
0x8a: {  	v10 =	vld [tilespmem:s17+$0x90]  }
0x8b: {  	v11 =	vld [tilespmem:s17+$0xA0]  }
0x8c: {  	v12 =	vld [tilespmem:s17+$0xB0]  }
0x8d: {  	v13 =	vld [tilespmem:s17+$0xC0]  }
0x8e: {  	v14 =	vld [tilespmem:s17+$0xD0]  }
0x8f: {  	v15 =	vld [tilespmem:s17+$0xE0]  }
0x90: {  	v6 =	vld.idx.msk [tilespmem:v6+s20+$0x0], $0xffff  }
0x91: {  	v1 =	vld.idx.msk [tilespmem:v1+s20+$0x0], $0xffff  }
0x92: {  	v3 =	vld.idx.msk [tilespmem:v3+s20+$0x0], $0xffff  }
0x93: {  	v7 =	vld.idx.msk [tilespmem:v7+s20+$0x0], $0xffff  }
0x94: {  	v16 =	vld.idx.msk [tilespmem:v2+s20+$0x0], $0xffff  }
0x95: {  	v4 =	vld.idx.msk [tilespmem:v4+s20+$0x0], $0xffff  }
0x96: {  	[tilespmem:s1+$0xFFFFFF80] =	vst v6;
	v5 =	vld.idx.msk [tilespmem:v5+s20+$0x0], $0xffff  }
0x97: {  	[tilespmem:s1+$0xFFFFFF90] =	vst v1;
	v1 =	vld.idx.msk [tilespmem:v8+s20+$0x0], $0xffff  }
0x98: {  	[tilespmem:s1+$0xFFFFFFA0] =	vst v3;
	v8 =	vld.idx.msk [tilespmem:v9+s20+$0x0], $0xffff  }
0x99: {  	[tilespmem:s1+$0xFFFFFFB0] =	vst v7;
	v2 =	vld.idx.msk [tilespmem:v10+s20+$0x0], $0xffff  }
.Ltmp3:
0x9a: {  	[tilespmem:s1+$0xFFFFFFC0] =	vst v16;
	v3 =	vld.idx.msk [tilespmem:v11+s20+$0x0], $0xffff;
	(pc) =	sbr.rel @p2 .LBB2_4-.Ltmp3, $4  }
0x9b: {  	[tilespmem:s1+$0xFFFFFFD0] =	vst v4;
	v4 =	vld.idx.msk [tilespmem:v12+s20+$0x0], $0xffff  }
0x9c: {  	[tilespmem:s1+$0xFFFFFFE0] =	vst v5;
	v5 =	vld.idx.msk [tilespmem:v13+s20+$0x0], $0xffff  }
0x9d: {  	[tilespmem:s1+$0xFFFFFFF0] =	vst v1;
	v6 =	vld.idx.msk [tilespmem:v14+s20+$0x0], $0xffff  }
0x9e: {  	s17 =	sadd.s32 $0x200, s17;
	[tilespmem:s1+$0x0] =	vst v8;
	v1 =	vld.idx.msk [tilespmem:v15+s20+$0x0], $0xffff  }
0x9f: {  	[tilespmem:s1+$0x10] =	vst v2  }
0xa0: {  	[tilespmem:s1+$0x20] =	vst v3  }
0xa1: {  	[tilespmem:s1+$0x30] =	vst v4  }
0xa2: {  	[tilespmem:s1+$0x40] =	vst v5  }
0xa3: {  	[tilespmem:s1+$0x50] =	vst v6  }
0xa4: {  	[tilespmem:s1+$0x60] =	vst v1  }
0xa5: {  	[tilespmem:s31], [sflag:$0x1] =	stream.linear.gather [hbm4b:s12+s4], $0x1400, $0x38;
	[tilespmem:$0x1EF80] =	vst v63  }
0xa6: {  	_ = 	snop  }
0xa7: {  	[spmem:s3] =	stream.indirect.scatter.add.f32 [tilespmem:s18], [sflag:$0x3], $0x1, s23, s22, $0xb8;
	[tilespmem:$0x1EF80] =	vst v63  }
0xa8: {  	_ =	swait.ge [sflag:s24], $0x1400  }
0xa9: {  	[sflag:s24] =	ssyncset.done $0x0  }
0xaa: {  	s31 =	simm.s32 $0x1B480;
	[sflag:s24] =	ssyncadd.s32 $0xFFFFEC00  }
0xab: {  	v1 =	vld [tilespmem:s31+$0x70]  }
0xac: {  	v2 =	vld [tilespmem:s31+$0xFFFFFF10]  }
0xad: {  	v3 =	vld [tilespmem:s31+$0xFFFFFF20]  }
0xae: {  	v4 =	vld [tilespmem:s31+$0xFFFFFF30]  }
0xaf: {  	v5 =	vld [tilespmem:s31+$0xFFFFFF40]  }
0xb0: {  	v6 =	vld [tilespmem:s31+$0xFFFFFF50]  }
0xb1: {  	v7 =	vld [tilespmem:s31+$0xFFFFFF60]  }
0xb2: {  	v8 =	vld [tilespmem:s31+$0xFFFFFF70]  }
0xb3: {  	v9 =	vld [tilespmem:s31+$0x0]  }
0xb4: {  	v10 =	vld [tilespmem:s31+$0x10]  }
0xb5: {  	v11 =	vld [tilespmem:s31+$0x20]  }
0xb6: {  	v12 =	vld [tilespmem:s31+$0x30]  }
0xb7: {  	v13 =	vld [tilespmem:s31+$0x40]  }
0xb8: {  	s0 =	simm.s32 $0x1D200;
	v14 =	vld [tilespmem:s31+$0x50]  }
0xb9: {  	v15 =	vld [tilespmem:s31+$0x60];
	[tilespmem:s0+$0x70] =	vst v1  }
0xba: {  	[tilespmem:s0+$0xFFFFFF90] =	vst v2;
	v2 =	vld [tilespmem:s31+$0xFFFFFF00]  }
0xbb: {  	[tilespmem:s0+$0xFFFFFFA0] =	vst v3;
	v1 =	vld [tilespmem:s31+$0xF0]  }
0xbc: {  	[tilespmem:s0+$0xFFFFFFB0] =	vst v4;
	v3 =	vld [tilespmem:s31+$0xFFFFFF90]  }
0xbd: {  	[tilespmem:s0+$0xFFFFFFC0] =	vst v5;
	v4 =	vld [tilespmem:s31+$0xFFFFFFA0]  }
0xbe: {  	[tilespmem:s0+$0xFFFFFFD0] =	vst v6;
	v5 =	vld [tilespmem:s31+$0xFFFFFFB0]  }
0xbf: {  	[tilespmem:s0+$0xFFFFFFE0] =	vst v7;
	v6 =	vld [tilespmem:s31+$0xFFFFFFC0]  }
0xc0: {  	[tilespmem:s0+$0xFFFFFFF0] =	vst v8;
	v8 =	vld [tilespmem:s31+$0xFFFFFFE0]  }
0xc1: {  	[tilespmem:s0+$0x0] =	vst v9;
	v56 =	vld [tilespmem:s31+$0xFFFFFFF0]  }
0xc2: {  	[tilespmem:s0+$0x10] =	vst v10;
	v57 =	vld [tilespmem:s31+$0x80]  }
0xc3: {  	[tilespmem:s0+$0x20] =	vst v11;
	v58 =	vld [tilespmem:s31+$0x90]  }
0xc4: {  	[tilespmem:s0+$0x30] =	vst v12;
	v59 =	vld [tilespmem:s31+$0xA0]  }
0xc5: {  	[tilespmem:s0+$0x40] =	vst v13;
	v60 =	vld [tilespmem:s31+$0xB0]  }
0xc6: {  	v61 =	vld [tilespmem:s31+$0xC0];
	[tilespmem:s0+$0xFFFFFF80] =	vst v2  }
0xc7: {  	[tilespmem:s0+$0x50] =	vst v14;
	v7 =	vld [tilespmem:s31+$0xFFFFFF80]  }
0xc8: {  	[tilespmem:s0+$0x60] =	vst v15;
	v62 =	vld [tilespmem:s31+$0xD0]  }
0xc9: {  	v16 =	vld [tilespmem:s31+$0xE0]  }
0xca: {  	v2 =	vld [tilespmem:s31+$0xFFFFFFD0]  }
0xcb: {  	v1 =	vld.idx.msk [tilespmem:v1+s20+$0x0], $0xffff  }
0xcc: {  	v3 =	vld.idx.msk [tilespmem:v3+s20+$0x0], $0xffff  }
0xcd: {  	v4 =	vld.idx.msk [tilespmem:v4+s20+$0x0], $0xffff  }
0xce: {  	v5 =	vld.idx.msk [tilespmem:v5+s20+$0x0], $0xffff  }
0xcf: {  	v7 =	vld.idx.msk [tilespmem:v7+s20+$0x0], $0xffff  }
0xd0: {  	s1 =	simm.s32 $0x1E600;
	v6 =	vld.idx.msk [tilespmem:v6+s20+$0x0], $0xffff  }
0xd1: {  	v63 =	vld.idx.msk [tilespmem:v57+s20+$0x0], $0xffff;
	[tilespmem:s1+$0x70] =	vst v1  }
0xd2: {  	v1 =	vld.idx.msk [tilespmem:v2+s20+$0x0], $0xffff;
	[tilespmem:s1+$0xFFFFFF90] =	vst v3  }
0xd3: {  	[tilespmem:s1+$0xFFFFFFA0] =	vst v4;
	v2 =	vld.idx.msk [tilespmem:v58+s20+$0x0], $0xffff  }
0xd4: {  	[tilespmem:s1+$0xFFFFFF80] =	vst v7;
	v7 =	vld.idx.msk [tilespmem:v8+s20+$0x0], $0xffff  }
0xd5: {  	[tilespmem:s1+$0xFFFFFFB0] =	vst v5;
	v8 =	vld.idx.msk [tilespmem:v56+s20+$0x0], $0xffff  }
0xd6: {  	[tilespmem:s1+$0xFFFFFFC0] =	vst v6;
	v3 =	vld.idx.msk [tilespmem:v59+s20+$0x0], $0xffff  }
0xd7: {  	v4 =	vld.idx.msk [tilespmem:v60+s20+$0x0], $0xffff;
	[tilespmem:s1+$0x0] =	vst v63  }
0xd8: {  	v5 =	vld.idx.msk [tilespmem:v61+s20+$0x0], $0xffff;
	[tilespmem:s1+$0xFFFFFFD0] =	vst v1  }
0xd9: {  	v6 =	vld.idx.msk [tilespmem:v62+s20+$0x0], $0xffff;
	[tilespmem:s1+$0xFFFFFFE0] =	vst v7  }
0xda: {  	s16 =	simm.s32 $0x0;
	s17 =	simm.s32 $0x1B680;
	v1 =	vld.idx.msk [tilespmem:v16+s20+$0x0], $0xffff;
	[tilespmem:s1+$0xFFFFFFF0] =	vst v8  }
.LBB2_6:
0xdb: {  	v7 =	vld [tilespmem:s17+$0x70];
	s16 =	sadd.s32 $0x100, s16;
	[tilespmem:s1+$0x10] =	vst v2  }
0xdc: {  	v2 =	vld [tilespmem:s17+$0xFFFFFF10];
	p2 =	slt.u32 s16, $0x900;
	[tilespmem:s1+$0x20] =	vst v3  }
0xdd: {  	v3 =	vld [tilespmem:s17+$0xFFFFFF20];
	[tilespmem:s1+$0x30] =	vst v4  }
0xde: {  	v4 =	vld [tilespmem:s17+$0xFFFFFF30];
	[tilespmem:s1+$0x40] =	vst v5  }
0xdf: {  	s0 =	sadd.s32 $0x100, s0;
	v5 =	vld [tilespmem:s17+$0xFFFFFF40];
	[tilespmem:s1+$0x50] =	vst v6  }
0xe0: {  	v6 =	vld [tilespmem:s17+$0xFFFFFF50];
	[tilespmem:s0+$0x70] =	vst v7  }
0xe1: {  	[tilespmem:s0+$0xFFFFFF90] =	vst v2;
	v2 =	vld [tilespmem:s17+$0xF0]  }
0xe2: {  	[tilespmem:s0+$0xFFFFFFA0] =	vst v3;
	v3 =	vld [tilespmem:s17+$0xFFFFFF60]  }
0xe3: {  	[tilespmem:s0+$0xFFFFFFB0] =	vst v4;
	v4 =	vld [tilespmem:s17+$0xFFFFFF70]  }
0xe4: {  	[tilespmem:s0+$0xFFFFFFC0] =	vst v5;
	v5 =	vld [tilespmem:s17+$0x0]  }
0xe5: {  	[tilespmem:s0+$0xFFFFFFD0] =	vst v6;
	v6 =	vld [tilespmem:s17+$0x10]  }
0xe6: {  	v7 =	vld [tilespmem:s17+$0x20];
	[tilespmem:s1+$0x60] =	vst v1  }
0xe7: {  	[tilespmem:s0+$0xFFFFFFE0] =	vst v3;
	v1 =	vld [tilespmem:s17+$0x30]  }
0xe8: {  	[tilespmem:s0+$0xFFFFFFF0] =	vst v4;
	v3 =	vld [tilespmem:s17+$0x40]  }
0xe9: {  	[tilespmem:s0+$0x0] =	vst v5;
	v2 =	vld.idx.msk [tilespmem:v2+s20+$0x0], $0xffff  }
0xea: {  	[tilespmem:s0+$0x10] =	vst v6;
	v4 =	vld [tilespmem:s17+$0x50]  }
0xeb: {  	[tilespmem:s0+$0x20] =	vst v7;
	v5 =	vld [tilespmem:s17+$0x60]  }
0xec: {  	v6 =	vld [tilespmem:s17+$0xFFFFFF00];
	[tilespmem:s0+$0x30] =	vst v1  }
0xed: {  	v1 =	vld [tilespmem:s17+$0xFFFFFF90];
	[tilespmem:s0+$0x40] =	vst v3  }
0xee: {  	s1 =	sadd.s32 $0x100, s1;
	v3 =	vld [tilespmem:s17+$0xFFFFFFA0]  }
0xef: {  	v7 =	vld [tilespmem:s17+$0xFFFFFFB0];
	[tilespmem:s1+$0x70] =	vst v2  }
0xf0: {  	v2 =	vld [tilespmem:s17+$0xFFFFFFC0];
	[tilespmem:s0+$0x50] =	vst v4  }
0xf1: {  	[tilespmem:s0+$0xFFFFFF80] =	vst v6;
	v4 =	vld [tilespmem:s17+$0xFFFFFFD0]  }
0xf2: {  	v6 =	vld [tilespmem:s17+$0xFFFFFF80];
	[tilespmem:s0+$0x60] =	vst v5  }
0xf3: {  	v5 =	vld [tilespmem:s17+$0xFFFFFFE0]  }
0xf4: {  	v8 =	vld [tilespmem:s17+$0xFFFFFFF0]  }
0xf5: {  	v9 =	vld [tilespmem:s17+$0x80]  }
0xf6: {  	v10 =	vld [tilespmem:s17+$0x90]  }
0xf7: {  	v11 =	vld [tilespmem:s17+$0xA0]  }
0xf8: {  	v12 =	vld [tilespmem:s17+$0xB0]  }
0xf9: {  	v13 =	vld [tilespmem:s17+$0xC0]  }
0xfa: {  	v14 =	vld [tilespmem:s17+$0xD0]  }
0xfb: {  	v15 =	vld [tilespmem:s17+$0xE0]  }
0xfc: {  	v6 =	vld.idx.msk [tilespmem:v6+s20+$0x0], $0xffff  }
0xfd: {  	v1 =	vld.idx.msk [tilespmem:v1+s20+$0x0], $0xffff  }
0xfe: {  	v3 =	vld.idx.msk [tilespmem:v3+s20+$0x0], $0xffff  }
0xff: {  	v7 =	vld.idx.msk [tilespmem:v7+s20+$0x0], $0xffff  }
0x100: {  	v16 =	vld.idx.msk [tilespmem:v2+s20+$0x0], $0xffff  }
0x101: {  	v4 =	vld.idx.msk [tilespmem:v4+s20+$0x0], $0xffff  }
0x102: {  	[tilespmem:s1+$0xFFFFFF80] =	vst v6;
	v5 =	vld.idx.msk [tilespmem:v5+s20+$0x0], $0xffff  }
0x103: {  	[tilespmem:s1+$0xFFFFFF90] =	vst v1;
	v1 =	vld.idx.msk [tilespmem:v8+s20+$0x0], $0xffff  }
0x104: {  	[tilespmem:s1+$0xFFFFFFA0] =	vst v3;
	v8 =	vld.idx.msk [tilespmem:v9+s20+$0x0], $0xffff  }
0x105: {  	[tilespmem:s1+$0xFFFFFFB0] =	vst v7;
	v2 =	vld.idx.msk [tilespmem:v10+s20+$0x0], $0xffff  }
.Ltmp4:
0x106: {  	[tilespmem:s1+$0xFFFFFFC0] =	vst v16;
	v3 =	vld.idx.msk [tilespmem:v11+s20+$0x0], $0xffff;
	(pc) =	sbr.rel @p2 .LBB2_6-.Ltmp4, $4  }
0x107: {  	[tilespmem:s1+$0xFFFFFFD0] =	vst v4;
	v4 =	vld.idx.msk [tilespmem:v12+s20+$0x0], $0xffff  }
0x108: {  	[tilespmem:s1+$0xFFFFFFE0] =	vst v5;
	v5 =	vld.idx.msk [tilespmem:v13+s20+$0x0], $0xffff  }
0x109: {  	[tilespmem:s1+$0xFFFFFFF0] =	vst v1;
	v6 =	vld.idx.msk [tilespmem:v14+s20+$0x0], $0xffff  }
0x10a: {  	s17 =	sadd.s32 $0x200, s17;
	[tilespmem:s1+$0x0] =	vst v8;
	v1 =	vld.idx.msk [tilespmem:v15+s20+$0x0], $0xffff  }
0x10b: {  	[tilespmem:s1+$0x10] =	vst v2  }
0x10c: {  	[tilespmem:s1+$0x20] =	vst v3  }
0x10d: {  	[tilespmem:s1+$0x30] =	vst v4  }
0x10e: {  	[tilespmem:s1+$0x40] =	vst v5  }
0x10f: {  	[tilespmem:s1+$0x50] =	vst v6  }
0x110: {  	s0 =	simm.s32 $0x1B380;
	[tilespmem:s1+$0x60] =	vst v1  }
0x111: {  	[tilespmem:s0], [sflag:$0x2] =	stream.linear.gather [hbm4b:s13+s4], $0x1400, $0x38;
	[tilespmem:$0x1EF80] =	vst v63  }
0x112: {  	s31 =	simm.s32 $0x1  }
0x113: {  	[spmem:s3] =	stream.indirect.scatter.add.f32 [tilespmem:s26], [sflag:$0x4], $0x1, s25, s22, $0xb8;
	[tilespmem:$0x1EF80] =	vst v63  }
.LBB2_8:
0x114: {  	_ =	swait.ge [sflag:s21], $0x1400  }
0x115: {  	[sflag:s21] =	ssyncset.done $0x0  }
0x116: {  	[sflag:s21] =	ssyncadd.s32 $0xFFFFEC00  }
0x117: {  	_ =	swait.ge [sflag:s28], $0xA00  }
0x118: {  	[sflag:s28] =	ssyncset.done $0x0  }
0x119: {  	s1 =	simm.s32 $0x1A080;
	[sflag:s28] =	ssyncadd.s32 $0xFFFFF600  }
0x11a: {  	v1 =	vld [tilespmem:s1+$0x70]  }
0x11b: {  	v2 =	vld [tilespmem:s1+$0xFFFFFF10]  }
0x11c: {  	v3 =	vld [tilespmem:s1+$0xFFFFFF20]  }
0x11d: {  	v4 =	vld [tilespmem:s1+$0xFFFFFF30]  }
0x11e: {  	v5 =	vld [tilespmem:s1+$0xFFFFFF40]  }
0x11f: {  	v6 =	vld [tilespmem:s1+$0xFFFFFF50]  }
0x120: {  	v7 =	vld [tilespmem:s1+$0xFFFFFF60]  }
0x121: {  	v8 =	vld [tilespmem:s1+$0xFFFFFF70]  }
0x122: {  	v9 =	vld [tilespmem:s1+$0x0]  }
0x123: {  	v10 =	vld [tilespmem:s1+$0x10]  }
0x124: {  	v11 =	vld [tilespmem:s1+$0x20]  }
0x125: {  	v12 =	vld [tilespmem:s1+$0x30]  }
0x126: {  	v13 =	vld [tilespmem:s1+$0x40]  }
0x127: {  	s0 =	simm.s32 $0x1C800;
	v14 =	vld [tilespmem:s1+$0x50]  }
0x128: {  	v15 =	vld [tilespmem:s1+$0x60];
	[tilespmem:s0+$0x70] =	vst v1  }
0x129: {  	[tilespmem:s0+$0xFFFFFF90] =	vst v2;
	v2 =	vld [tilespmem:s1+$0xFFFFFF00]  }
0x12a: {  	[tilespmem:s0+$0xFFFFFFA0] =	vst v3;
	v1 =	vld [tilespmem:s1+$0xF0]  }
0x12b: {  	[tilespmem:s0+$0xFFFFFFB0] =	vst v4;
	v3 =	vld [tilespmem:s1+$0xFFFFFF90]  }
0x12c: {  	[tilespmem:s0+$0xFFFFFFC0] =	vst v5;
	v4 =	vld [tilespmem:s1+$0xFFFFFFA0]  }
0x12d: {  	[tilespmem:s0+$0xFFFFFFD0] =	vst v6;
	v5 =	vld [tilespmem:s1+$0xFFFFFFB0]  }
0x12e: {  	[tilespmem:s0+$0xFFFFFFE0] =	vst v7;
	v6 =	vld [tilespmem:s1+$0xFFFFFFC0]  }
0x12f: {  	[tilespmem:s0+$0xFFFFFFF0] =	vst v8;
	v8 =	vld [tilespmem:s1+$0xFFFFFFE0]  }
0x130: {  	[tilespmem:s0+$0x0] =	vst v9;
	v56 =	vld [tilespmem:s1+$0xFFFFFFF0]  }
0x131: {  	[tilespmem:s0+$0x10] =	vst v10;
	v57 =	vld [tilespmem:s1+$0x80]  }
0x132: {  	[tilespmem:s0+$0x20] =	vst v11;
	v58 =	vld [tilespmem:s1+$0x90]  }
0x133: {  	[tilespmem:s0+$0x30] =	vst v12;
	v59 =	vld [tilespmem:s1+$0xA0]  }
0x134: {  	[tilespmem:s0+$0x40] =	vst v13;
	v60 =	vld [tilespmem:s1+$0xB0]  }
0x135: {  	v61 =	vld [tilespmem:s1+$0xC0];
	[tilespmem:s0+$0xFFFFFF80] =	vst v2  }
0x136: {  	[tilespmem:s0+$0x50] =	vst v14;
	v7 =	vld [tilespmem:s1+$0xFFFFFF80]  }
0x137: {  	[tilespmem:s0+$0x60] =	vst v15;
	v62 =	vld [tilespmem:s1+$0xD0]  }
0x138: {  	v16 =	vld [tilespmem:s1+$0xE0]  }
0x139: {  	v2 =	vld [tilespmem:s1+$0xFFFFFFD0]  }
0x13a: {  	v1 =	vld.idx.msk [tilespmem:v1+s20+$0x0], $0xffff  }
0x13b: {  	v3 =	vld.idx.msk [tilespmem:v3+s20+$0x0], $0xffff  }
0x13c: {  	v4 =	vld.idx.msk [tilespmem:v4+s20+$0x0], $0xffff  }
0x13d: {  	v5 =	vld.idx.msk [tilespmem:v5+s20+$0x0], $0xffff  }
0x13e: {  	v7 =	vld.idx.msk [tilespmem:v7+s20+$0x0], $0xffff  }
0x13f: {  	s1 =	simm.s32 $0x1DC00;
	v17 =	vld.idx.msk [tilespmem:v6+s20+$0x0], $0xffff  }
0x140: {  	v63 =	vld.idx.msk [tilespmem:v57+s20+$0x0], $0xffff;
	[tilespmem:s1+$0x70] =	vst v1  }
0x141: {  	v6 =	vld.idx.msk [tilespmem:v58+s20+$0x0], $0xffff;
	[tilespmem:s1+$0xFFFFFF90] =	vst v3  }
0x142: {  	v1 =	vld.idx.msk [tilespmem:v2+s20+$0x0], $0xffff;
	[tilespmem:s1+$0xFFFFFFA0] =	vst v4  }
0x143: {  	[tilespmem:s1+$0xFFFFFF80] =	vst v7;
	v7 =	vld.idx.msk [tilespmem:v8+s20+$0x0], $0xffff  }
0x144: {  	[tilespmem:s1+$0xFFFFFFB0] =	vst v5;
	v8 =	vld.idx.msk [tilespmem:v56+s20+$0x0], $0xffff  }
0x145: {  	[tilespmem:s1+$0xFFFFFFC0] =	vst v17;
	v2 =	vld.idx.msk [tilespmem:v59+s20+$0x0], $0xffff  }
0x146: {  	v3 =	vld.idx.msk [tilespmem:v60+s20+$0x0], $0xffff;
	[tilespmem:s1+$0x0] =	vst v63  }
0x147: {  	v4 =	vld.idx.msk [tilespmem:v61+s20+$0x0], $0xffff;
	[tilespmem:s1+$0xFFFFFFD0] =	vst v1  }
0x148: {  	v5 =	vld.idx.msk [tilespmem:v62+s20+$0x0], $0xffff;
	[tilespmem:s1+$0xFFFFFFE0] =	vst v7  }
0x149: {  	s16 =	simm.s32 $0x0;
	s17 =	simm.s32 $0x1A280;
	v1 =	vld.idx.msk [tilespmem:v16+s20+$0x0], $0xffff;
	[tilespmem:s1+$0xFFFFFFF0] =	vst v8  }
.LBB2_9:
0x14a: {  	v7 =	vld [tilespmem:s17+$0x70];
	s16 =	sadd.s32 $0x100, s16;
	[tilespmem:s1+$0x10] =	vst v6  }
0x14b: {  	v6 =	vld [tilespmem:s17+$0xFFFFFF10];
	p2 =	slt.u32 s16, $0x900;
	[tilespmem:s1+$0x20] =	vst v2  }
0x14c: {  	v2 =	vld [tilespmem:s17+$0xFFFFFF20];
	[tilespmem:s1+$0x30] =	vst v3  }
0x14d: {  	v3 =	vld [tilespmem:s17+$0xFFFFFF30];
	[tilespmem:s1+$0x40] =	vst v4  }
0x14e: {  	s0 =	sadd.s32 $0x100, s0;
	v4 =	vld [tilespmem:s17+$0xFFFFFF40];
	[tilespmem:s1+$0x50] =	vst v5  }
0x14f: {  	v5 =	vld [tilespmem:s17+$0xFFFFFF50];
	[tilespmem:s0+$0x70] =	vst v7  }
0x150: {  	[tilespmem:s0+$0xFFFFFF90] =	vst v6;
	v6 =	vld [tilespmem:s17+$0xF0]  }
0x151: {  	[tilespmem:s0+$0xFFFFFFA0] =	vst v2;
	v2 =	vld [tilespmem:s17+$0xFFFFFF60]  }
0x152: {  	[tilespmem:s0+$0xFFFFFFB0] =	vst v3;
	v3 =	vld [tilespmem:s17+$0xFFFFFF70]  }
0x153: {  	[tilespmem:s0+$0xFFFFFFC0] =	vst v4;
	v4 =	vld [tilespmem:s17+$0x0]  }
0x154: {  	[tilespmem:s0+$0xFFFFFFD0] =	vst v5;
	v5 =	vld [tilespmem:s17+$0x10]  }
0x155: {  	v7 =	vld [tilespmem:s17+$0x20];
	[tilespmem:s1+$0x60] =	vst v1  }
0x156: {  	[tilespmem:s0+$0xFFFFFFE0] =	vst v2;
	v1 =	vld [tilespmem:s17+$0x30]  }
0x157: {  	[tilespmem:s0+$0xFFFFFFF0] =	vst v3;
	v2 =	vld [tilespmem:s17+$0x40]  }
0x158: {  	[tilespmem:s0+$0x0] =	vst v4;
	v3 =	vld.idx.msk [tilespmem:v6+s20+$0x0], $0xffff  }
0x159: {  	[tilespmem:s0+$0x10] =	vst v5;
	v4 =	vld [tilespmem:s17+$0x50]  }
0x15a: {  	[tilespmem:s0+$0x20] =	vst v7;
	v5 =	vld [tilespmem:s17+$0x60]  }
0x15b: {  	v6 =	vld [tilespmem:s17+$0xFFFFFF00];
	[tilespmem:s0+$0x30] =	vst v1  }
0x15c: {  	v1 =	vld [tilespmem:s17+$0xFFFFFF90];
	[tilespmem:s0+$0x40] =	vst v2  }
0x15d: {  	s1 =	sadd.s32 $0x100, s1;
	v2 =	vld [tilespmem:s17+$0xFFFFFFA0]  }
0x15e: {  	v7 =	vld [tilespmem:s17+$0xFFFFFFB0];
	[tilespmem:s1+$0x70] =	vst v3  }
0x15f: {  	v3 =	vld [tilespmem:s17+$0xFFFFFFC0];
	[tilespmem:s0+$0x50] =	vst v4  }
0x160: {  	[tilespmem:s0+$0xFFFFFF80] =	vst v6;
	v4 =	vld [tilespmem:s17+$0xFFFFFFD0]  }
0x161: {  	v6 =	vld [tilespmem:s17+$0xFFFFFF80];
	[tilespmem:s0+$0x60] =	vst v5  }
0x162: {  	v5 =	vld [tilespmem:s17+$0xFFFFFFE0]  }
0x163: {  	v8 =	vld [tilespmem:s17+$0xFFFFFFF0]  }
0x164: {  	v9 =	vld [tilespmem:s17+$0x80]  }
0x165: {  	v10 =	vld [tilespmem:s17+$0x90]  }
0x166: {  	v11 =	vld [tilespmem:s17+$0xA0]  }
0x167: {  	v12 =	vld [tilespmem:s17+$0xB0]  }
0x168: {  	v13 =	vld [tilespmem:s17+$0xC0]  }
0x169: {  	v14 =	vld [tilespmem:s17+$0xD0]  }
0x16a: {  	v15 =	vld [tilespmem:s17+$0xE0]  }
0x16b: {  	v6 =	vld.idx.msk [tilespmem:v6+s20+$0x0], $0xffff  }
0x16c: {  	v1 =	vld.idx.msk [tilespmem:v1+s20+$0x0], $0xffff  }
0x16d: {  	v2 =	vld.idx.msk [tilespmem:v2+s20+$0x0], $0xffff  }
0x16e: {  	v7 =	vld.idx.msk [tilespmem:v7+s20+$0x0], $0xffff  }
0x16f: {  	v3 =	vld.idx.msk [tilespmem:v3+s20+$0x0], $0xffff  }
0x170: {  	v4 =	vld.idx.msk [tilespmem:v4+s20+$0x0], $0xffff  }
0x171: {  	[tilespmem:s1+$0xFFFFFF80] =	vst v6;
	v5 =	vld.idx.msk [tilespmem:v5+s20+$0x0], $0xffff  }
0x172: {  	[tilespmem:s1+$0xFFFFFF90] =	vst v1;
	v1 =	vld.idx.msk [tilespmem:v8+s20+$0x0], $0xffff  }
0x173: {  	[tilespmem:s1+$0xFFFFFFA0] =	vst v2;
	v8 =	vld.idx.msk [tilespmem:v9+s20+$0x0], $0xffff  }
0x174: {  	[tilespmem:s1+$0xFFFFFFB0] =	vst v7;
	v6 =	vld.idx.msk [tilespmem:v10+s20+$0x0], $0xffff  }
.Ltmp5:
0x175: {  	[tilespmem:s1+$0xFFFFFFC0] =	vst v3;
	v2 =	vld.idx.msk [tilespmem:v11+s20+$0x0], $0xffff;
	(pc) =	sbr.rel @p2 .LBB2_9-.Ltmp5, $4  }
0x176: {  	[tilespmem:s1+$0xFFFFFFD0] =	vst v4;
	v3 =	vld.idx.msk [tilespmem:v12+s20+$0x0], $0xffff  }
0x177: {  	[tilespmem:s1+$0xFFFFFFE0] =	vst v5;
	v4 =	vld.idx.msk [tilespmem:v13+s20+$0x0], $0xffff  }
0x178: {  	[tilespmem:s1+$0xFFFFFFF0] =	vst v1;
	v5 =	vld.idx.msk [tilespmem:v14+s20+$0x0], $0xffff  }
0x179: {  	s17 =	sadd.s32 $0x200, s17;
	[tilespmem:s1+$0x0] =	vst v8;
	v1 =	vld.idx.msk [tilespmem:v15+s20+$0x0], $0xffff  }
0x17a: {  	s0 =	sshll.u32 s31, $0x1  }
0x17b: {  	s7 =	sadd.s32 $0x2, s0  }
0x17c: {  	[tilespmem:s1+$0x10] =	vst v6;
	p2 =	sge.u32 s7, s6  }
0x17d: {  	[tilespmem:s1+$0x20] =	vst v2;
	s7 =	sshll.u32 @!p2 s7, $0x5  }
0x17e: {  	[tilespmem:s1+$0x30] =	vst v3;
	s7 =	sor.u32 @!p2 s5, s7  }
0x17f: {  	[tilespmem:s1+$0x40] =	vst v4;
	s7 =	smul.u32 @!p2 $0x280, s7  }
0x180: {  	[tilespmem:s1+$0x50] =	vst v5  }
0x181: {  	s16 =	simm.s32 @!p2 $0x19F80;
	[tilespmem:s1+$0x60] =	vst v1;
	s1 =	sadd.s32 @!p2 s2, s7;
	s7 =	simm.s32 @!p2 $0x0  }
0x182: {  	[tilespmem:s16], [sflag:$0x1] =	stream.linear.gather @!p2 [hbm4b:s1+s7], $0x1400, $0x38;
	[tilespmem:$0x1EF80] =	vst v63  }
0x183: {  	_ = 	snop  }
0x184: {  	[spmem:s3] =	stream.indirect.scatter.add.f32 [tilespmem:s18], [sflag:$0x3], $0x1, s23, s22, $0xb8;
	[tilespmem:$0x1EF80] =	vst v63  }
0x185: {  	_ =	swait.ge [sflag:s24], $0x1400  }
0x186: {  	[sflag:s24] =	ssyncset.done $0x0  }
0x187: {  	[sflag:s24] =	ssyncadd.s32 $0xFFFFEC00  }
0x188: {  	_ =	swait.ge [sflag:s29], $0xA00  }
0x189: {  	[sflag:s29] =	ssyncset.done $0x0  }
0x18a: {  	s17 =	simm.s32 $0x1B480;
	[sflag:s29] =	ssyncadd.s32 $0xFFFFF600  }
0x18b: {  	v1 =	vld [tilespmem:s17+$0x70]  }
0x18c: {  	v2 =	vld [tilespmem:s17+$0xFFFFFF10]  }
0x18d: {  	v3 =	vld [tilespmem:s17+$0xFFFFFF20]  }
0x18e: {  	v4 =	vld [tilespmem:s17+$0xFFFFFF30]  }
0x18f: {  	v5 =	vld [tilespmem:s17+$0xFFFFFF40]  }
0x190: {  	v6 =	vld [tilespmem:s17+$0xFFFFFF50]  }
0x191: {  	v7 =	vld [tilespmem:s17+$0xFFFFFF60]  }
0x192: {  	v8 =	vld [tilespmem:s17+$0xFFFFFF70]  }
0x193: {  	v9 =	vld [tilespmem:s17+$0x0]  }
0x194: {  	v10 =	vld [tilespmem:s17+$0x10]  }
0x195: {  	v11 =	vld [tilespmem:s17+$0x20]  }
0x196: {  	v12 =	vld [tilespmem:s17+$0x30]  }
0x197: {  	v13 =	vld [tilespmem:s17+$0x40]  }
0x198: {  	s1 =	simm.s32 $0x1D200;
	v14 =	vld [tilespmem:s17+$0x50]  }
0x199: {  	v15 =	vld [tilespmem:s17+$0x60];
	[tilespmem:s1+$0x70] =	vst v1  }
0x19a: {  	[tilespmem:s1+$0xFFFFFF90] =	vst v2;
	v2 =	vld [tilespmem:s17+$0xFFFFFF00]  }
0x19b: {  	[tilespmem:s1+$0xFFFFFFA0] =	vst v3;
	v1 =	vld [tilespmem:s17+$0xF0]  }
0x19c: {  	[tilespmem:s1+$0xFFFFFFB0] =	vst v4;
	v3 =	vld [tilespmem:s17+$0xFFFFFF90]  }
0x19d: {  	[tilespmem:s1+$0xFFFFFFC0] =	vst v5;
	v4 =	vld [tilespmem:s17+$0xFFFFFFA0]  }
0x19e: {  	[tilespmem:s1+$0xFFFFFFD0] =	vst v6;
	v5 =	vld [tilespmem:s17+$0xFFFFFFB0]  }
0x19f: {  	[tilespmem:s1+$0xFFFFFFE0] =	vst v7;
	v6 =	vld [tilespmem:s17+$0xFFFFFFC0]  }
0x1a0: {  	[tilespmem:s1+$0xFFFFFFF0] =	vst v8;
	v8 =	vld [tilespmem:s17+$0xFFFFFFE0]  }
0x1a1: {  	[tilespmem:s1+$0x0] =	vst v9;
	v56 =	vld [tilespmem:s17+$0xFFFFFFF0]  }
0x1a2: {  	[tilespmem:s1+$0x10] =	vst v10;
	v57 =	vld [tilespmem:s17+$0x80]  }
0x1a3: {  	[tilespmem:s1+$0x20] =	vst v11;
	v58 =	vld [tilespmem:s17+$0x90]  }
0x1a4: {  	[tilespmem:s1+$0x30] =	vst v12;
	v59 =	vld [tilespmem:s17+$0xA0]  }
0x1a5: {  	[tilespmem:s1+$0x40] =	vst v13;
	v60 =	vld [tilespmem:s17+$0xB0]  }
0x1a6: {  	v61 =	vld [tilespmem:s17+$0xC0];
	[tilespmem:s1+$0xFFFFFF80] =	vst v2  }
0x1a7: {  	[tilespmem:s1+$0x50] =	vst v14;
	v7 =	vld [tilespmem:s17+$0xFFFFFF80]  }
0x1a8: {  	[tilespmem:s1+$0x60] =	vst v15;
	v62 =	vld [tilespmem:s17+$0xD0]  }
0x1a9: {  	v16 =	vld [tilespmem:s17+$0xE0]  }
0x1aa: {  	v2 =	vld [tilespmem:s17+$0xFFFFFFD0]  }
0x1ab: {  	v1 =	vld.idx.msk [tilespmem:v1+s20+$0x0], $0xffff  }
0x1ac: {  	v3 =	vld.idx.msk [tilespmem:v3+s20+$0x0], $0xffff  }
0x1ad: {  	v4 =	vld.idx.msk [tilespmem:v4+s20+$0x0], $0xffff  }
0x1ae: {  	v5 =	vld.idx.msk [tilespmem:v5+s20+$0x0], $0xffff  }
0x1af: {  	v7 =	vld.idx.msk [tilespmem:v7+s20+$0x0], $0xffff  }
0x1b0: {  	s16 =	simm.s32 $0x1E600;
	v17 =	vld.idx.msk [tilespmem:v6+s20+$0x0], $0xffff  }
0x1b1: {  	v63 =	vld.idx.msk [tilespmem:v57+s20+$0x0], $0xffff;
	[tilespmem:s16+$0x70] =	vst v1  }
0x1b2: {  	v6 =	vld.idx.msk [tilespmem:v58+s20+$0x0], $0xffff;
	[tilespmem:s16+$0xFFFFFF90] =	vst v3  }
0x1b3: {  	v1 =	vld.idx.msk [tilespmem:v2+s20+$0x0], $0xffff;
	[tilespmem:s16+$0xFFFFFFA0] =	vst v4  }
0x1b4: {  	[tilespmem:s16+$0xFFFFFF80] =	vst v7;
	v7 =	vld.idx.msk [tilespmem:v8+s20+$0x0], $0xffff  }
0x1b5: {  	[tilespmem:s16+$0xFFFFFFB0] =	vst v5;
	v8 =	vld.idx.msk [tilespmem:v56+s20+$0x0], $0xffff  }
0x1b6: {  	[tilespmem:s16+$0xFFFFFFC0] =	vst v17;
	v2 =	vld.idx.msk [tilespmem:v59+s20+$0x0], $0xffff  }
0x1b7: {  	v3 =	vld.idx.msk [tilespmem:v60+s20+$0x0], $0xffff;
	[tilespmem:s16+$0x0] =	vst v63  }
0x1b8: {  	v4 =	vld.idx.msk [tilespmem:v61+s20+$0x0], $0xffff;
	[tilespmem:s16+$0xFFFFFFD0] =	vst v1  }
0x1b9: {  	v5 =	vld.idx.msk [tilespmem:v62+s20+$0x0], $0xffff;
	[tilespmem:s16+$0xFFFFFFE0] =	vst v7  }
0x1ba: {  	s7 =	simm.s32 $0x1B680;
	s17 =	simm.s32 $0x0;
	v1 =	vld.idx.msk [tilespmem:v16+s20+$0x0], $0xffff;
	[tilespmem:s16+$0xFFFFFFF0] =	vst v8  }
.LBB2_11:
0x1bb: {  	v7 =	vld [tilespmem:s7+$0x70];
	s17 =	sadd.s32 $0x100, s17;
	[tilespmem:s16+$0x10] =	vst v6  }
0x1bc: {  	v6 =	vld [tilespmem:s7+$0xFFFFFF10];
	p2 =	slt.u32 s17, $0x900;
	[tilespmem:s16+$0x20] =	vst v2  }
0x1bd: {  	v2 =	vld [tilespmem:s7+$0xFFFFFF20];
	[tilespmem:s16+$0x30] =	vst v3  }
0x1be: {  	v3 =	vld [tilespmem:s7+$0xFFFFFF30];
	[tilespmem:s16+$0x40] =	vst v4  }
0x1bf: {  	s1 =	sadd.s32 $0x100, s1;
	v4 =	vld [tilespmem:s7+$0xFFFFFF40];
	[tilespmem:s16+$0x50] =	vst v5  }
0x1c0: {  	v5 =	vld [tilespmem:s7+$0xFFFFFF50];
	[tilespmem:s1+$0x70] =	vst v7  }
0x1c1: {  	[tilespmem:s1+$0xFFFFFF90] =	vst v6;
	v6 =	vld [tilespmem:s7+$0xF0]  }
0x1c2: {  	[tilespmem:s1+$0xFFFFFFA0] =	vst v2;
	v2 =	vld [tilespmem:s7+$0xFFFFFF60]  }
0x1c3: {  	[tilespmem:s1+$0xFFFFFFB0] =	vst v3;
	v3 =	vld [tilespmem:s7+$0xFFFFFF70]  }
0x1c4: {  	[tilespmem:s1+$0xFFFFFFC0] =	vst v4;
	v4 =	vld [tilespmem:s7+$0x0]  }
0x1c5: {  	[tilespmem:s1+$0xFFFFFFD0] =	vst v5;
	v5 =	vld [tilespmem:s7+$0x10]  }
0x1c6: {  	v7 =	vld [tilespmem:s7+$0x20];
	[tilespmem:s16+$0x60] =	vst v1  }
0x1c7: {  	[tilespmem:s1+$0xFFFFFFE0] =	vst v2;
	v1 =	vld [tilespmem:s7+$0x30]  }
0x1c8: {  	[tilespmem:s1+$0xFFFFFFF0] =	vst v3;
	v2 =	vld [tilespmem:s7+$0x40]  }
0x1c9: {  	[tilespmem:s1+$0x0] =	vst v4;
	v3 =	vld.idx.msk [tilespmem:v6+s20+$0x0], $0xffff  }
0x1ca: {  	[tilespmem:s1+$0x10] =	vst v5;
	v4 =	vld [tilespmem:s7+$0x50]  }
0x1cb: {  	[tilespmem:s1+$0x20] =	vst v7;
	v5 =	vld [tilespmem:s7+$0x60]  }
0x1cc: {  	v6 =	vld [tilespmem:s7+$0xFFFFFF00];
	[tilespmem:s1+$0x30] =	vst v1  }
0x1cd: {  	v1 =	vld [tilespmem:s7+$0xFFFFFF90];
	[tilespmem:s1+$0x40] =	vst v2  }
0x1ce: {  	s16 =	sadd.s32 $0x100, s16;
	v2 =	vld [tilespmem:s7+$0xFFFFFFA0]  }
0x1cf: {  	v7 =	vld [tilespmem:s7+$0xFFFFFFB0];
	[tilespmem:s16+$0x70] =	vst v3  }
0x1d0: {  	v3 =	vld [tilespmem:s7+$0xFFFFFFC0];
	[tilespmem:s1+$0x50] =	vst v4  }
0x1d1: {  	[tilespmem:s1+$0xFFFFFF80] =	vst v6;
	v4 =	vld [tilespmem:s7+$0xFFFFFFD0]  }
0x1d2: {  	v6 =	vld [tilespmem:s7+$0xFFFFFF80];
	[tilespmem:s1+$0x60] =	vst v5  }
0x1d3: {  	v5 =	vld [tilespmem:s7+$0xFFFFFFE0]  }
0x1d4: {  	v8 =	vld [tilespmem:s7+$0xFFFFFFF0]  }
0x1d5: {  	v9 =	vld [tilespmem:s7+$0x80]  }
0x1d6: {  	v10 =	vld [tilespmem:s7+$0x90]  }
0x1d7: {  	v11 =	vld [tilespmem:s7+$0xA0]  }
0x1d8: {  	v12 =	vld [tilespmem:s7+$0xB0]  }
0x1d9: {  	v13 =	vld [tilespmem:s7+$0xC0]  }
0x1da: {  	v14 =	vld [tilespmem:s7+$0xD0]  }
0x1db: {  	v15 =	vld [tilespmem:s7+$0xE0]  }
0x1dc: {  	v6 =	vld.idx.msk [tilespmem:v6+s20+$0x0], $0xffff  }
0x1dd: {  	v1 =	vld.idx.msk [tilespmem:v1+s20+$0x0], $0xffff  }
0x1de: {  	v2 =	vld.idx.msk [tilespmem:v2+s20+$0x0], $0xffff  }
0x1df: {  	v7 =	vld.idx.msk [tilespmem:v7+s20+$0x0], $0xffff  }
0x1e0: {  	v3 =	vld.idx.msk [tilespmem:v3+s20+$0x0], $0xffff  }
0x1e1: {  	v4 =	vld.idx.msk [tilespmem:v4+s20+$0x0], $0xffff  }
0x1e2: {  	[tilespmem:s16+$0xFFFFFF80] =	vst v6;
	v5 =	vld.idx.msk [tilespmem:v5+s20+$0x0], $0xffff  }
0x1e3: {  	[tilespmem:s16+$0xFFFFFF90] =	vst v1;
	v1 =	vld.idx.msk [tilespmem:v8+s20+$0x0], $0xffff  }
0x1e4: {  	[tilespmem:s16+$0xFFFFFFA0] =	vst v2;
	v8 =	vld.idx.msk [tilespmem:v9+s20+$0x0], $0xffff  }
0x1e5: {  	[tilespmem:s16+$0xFFFFFFB0] =	vst v7;
	v6 =	vld.idx.msk [tilespmem:v10+s20+$0x0], $0xffff  }
.Ltmp6:
0x1e6: {  	[tilespmem:s16+$0xFFFFFFC0] =	vst v3;
	v2 =	vld.idx.msk [tilespmem:v11+s20+$0x0], $0xffff;
	(pc) =	sbr.rel @p2 .LBB2_11-.Ltmp6, $4  }
0x1e7: {  	[tilespmem:s16+$0xFFFFFFD0] =	vst v4;
	v3 =	vld.idx.msk [tilespmem:v12+s20+$0x0], $0xffff  }
0x1e8: {  	[tilespmem:s16+$0xFFFFFFE0] =	vst v5;
	v4 =	vld.idx.msk [tilespmem:v13+s20+$0x0], $0xffff  }
0x1e9: {  	[tilespmem:s16+$0xFFFFFFF0] =	vst v1;
	v5 =	vld.idx.msk [tilespmem:v14+s20+$0x0], $0xffff  }
0x1ea: {  	s7 =	sadd.s32 $0x200, s7;
	[tilespmem:s16+$0x0] =	vst v8;
	v1 =	vld.idx.msk [tilespmem:v15+s20+$0x0], $0xffff  }
0x1eb: {  	s0 =	sadd.s32 $0x3, s0  }
0x1ec: {  	[tilespmem:s16+$0x10] =	vst v6;
	p2 =	sge.u32 s0, s6  }
0x1ed: {  	[tilespmem:s16+$0x20] =	vst v2;
	s0 =	sshll.u32 @!p2 s0, $0x5  }
0x1ee: {  	[tilespmem:s16+$0x30] =	vst v3;
	s0 =	sor.u32 @!p2 s5, s0  }
0x1ef: {  	[tilespmem:s16+$0x40] =	vst v4;
	s0 =	smul.u32 @!p2 $0x280, s0  }
0x1f0: {  	s31 =	sadd.s32 $0x1, s31;
	[tilespmem:s16+$0x50] =	vst v5  }
0x1f1: {  	s1 =	simm.s32 @!p2 $0x0;
	s7 =	simm.s32 @!p2 $0x1B380;
	[tilespmem:s16+$0x60] =	vst v1;
	s0 =	sadd.s32 @!p2 s2, s0  }
0x1f2: {  	[tilespmem:s7], [sflag:$0x2] =	stream.linear.gather @!p2 [hbm4b:s0+s1], $0x1400, $0x38;
	[tilespmem:$0x1EF80] =	vst v63  }
0x1f3: {  	p2 =	sne.s32 s31, $0x27  }
.Ltmp7:
0x1f4: {  	_ = 	snop;
	(pc) =	sbr.rel @p2 .LBB2_8-.Ltmp7, $2  }
0x1f5: {  	_ =	sdelay $0x2  }
0x1f6: {  	[spmem:s3] =	stream.indirect.scatter.add.f32 [tilespmem:s26], [sflag:$0x4], $0x1, s25, s22, $0xb8;
	[tilespmem:$0x1EF80] =	vst v63  }
.Ltmp8:
0x1f7: {  	(pc) =	sbr.rel @p1 .LBB2_17-.Ltmp8, $2  }
0x1f8: {  	_ =	sdelay $0x2  }
0x1f9: {  	s31 =	simm.s32 $0x19F80  }
0x1fa: {  	_ =	swait.ge [sflag:s21], $0x1400  }
0x1fb: {  	[sflag:s21] =	ssyncset.done $0x0  }
0x1fc: {  	[sflag:s21] =	ssyncadd.s32 $0xFFFFEC00  }
0x1fd: {  	_ =	swait.ge [sflag:s28], $0xA00  }
0x1fe: {  	[sflag:s28] =	ssyncset.done $0x0  }
0x1ff: {  	s1 =	simm.s32 $0x1A080;
	[sflag:s28] =	ssyncadd.s32 $0xFFFFF600  }
0x200: {  	v1 =	vld [tilespmem:s1+$0x70]  }
0x201: {  	v2 =	vld [tilespmem:s1+$0xFFFFFF10]  }
0x202: {  	v3 =	vld [tilespmem:s1+$0xFFFFFF20]  }
0x203: {  	v4 =	vld [tilespmem:s1+$0xFFFFFF30]  }
0x204: {  	v5 =	vld [tilespmem:s1+$0xFFFFFF40]  }
0x205: {  	v6 =	vld [tilespmem:s1+$0xFFFFFF50]  }
0x206: {  	v7 =	vld [tilespmem:s1+$0xFFFFFF60]  }
0x207: {  	v8 =	vld [tilespmem:s1+$0xFFFFFF70]  }
0x208: {  	v9 =	vld [tilespmem:s1+$0x0]  }
0x209: {  	v10 =	vld [tilespmem:s1+$0x10]  }
0x20a: {  	v11 =	vld [tilespmem:s1+$0x20]  }
0x20b: {  	v12 =	vld [tilespmem:s1+$0x30]  }
0x20c: {  	v13 =	vld [tilespmem:s1+$0x40]  }
0x20d: {  	s0 =	simm.s32 $0x1C800;
	v14 =	vld [tilespmem:s1+$0x50]  }
0x20e: {  	v15 =	vld [tilespmem:s1+$0x60];
	[tilespmem:s0+$0x70] =	vst v1  }
0x20f: {  	[tilespmem:s0+$0xFFFFFF90] =	vst v2;
	v2 =	vld [tilespmem:s1+$0xFFFFFF00]  }
0x210: {  	[tilespmem:s0+$0xFFFFFFA0] =	vst v3;
	v1 =	vld [tilespmem:s1+$0xF0]  }
0x211: {  	[tilespmem:s0+$0xFFFFFFB0] =	vst v4;
	v3 =	vld [tilespmem:s1+$0xFFFFFF90]  }
0x212: {  	[tilespmem:s0+$0xFFFFFFC0] =	vst v5;
	v4 =	vld [tilespmem:s1+$0xFFFFFFA0]  }
0x213: {  	[tilespmem:s0+$0xFFFFFFD0] =	vst v6;
	v5 =	vld [tilespmem:s1+$0xFFFFFFB0]  }
0x214: {  	[tilespmem:s0+$0xFFFFFFE0] =	vst v7;
	v6 =	vld [tilespmem:s1+$0xFFFFFFC0]  }
0x215: {  	[tilespmem:s0+$0xFFFFFFF0] =	vst v8;
	v8 =	vld [tilespmem:s1+$0xFFFFFFE0]  }
0x216: {  	[tilespmem:s0+$0x0] =	vst v9;
	v56 =	vld [tilespmem:s1+$0xFFFFFFF0]  }
0x217: {  	[tilespmem:s0+$0x10] =	vst v10;
	v57 =	vld [tilespmem:s1+$0x80]  }
0x218: {  	[tilespmem:s0+$0x20] =	vst v11;
	v58 =	vld [tilespmem:s1+$0x90]  }
0x219: {  	[tilespmem:s0+$0x30] =	vst v12;
	v59 =	vld [tilespmem:s1+$0xA0]  }
0x21a: {  	[tilespmem:s0+$0x40] =	vst v13;
	v60 =	vld [tilespmem:s1+$0xB0]  }
0x21b: {  	v61 =	vld [tilespmem:s1+$0xC0];
	[tilespmem:s0+$0xFFFFFF80] =	vst v2  }
0x21c: {  	[tilespmem:s0+$0x50] =	vst v14;
	v7 =	vld [tilespmem:s1+$0xFFFFFF80]  }
0x21d: {  	[tilespmem:s0+$0x60] =	vst v15;
	v62 =	vld [tilespmem:s1+$0xD0]  }
0x21e: {  	v16 =	vld [tilespmem:s1+$0xE0]  }
0x21f: {  	v2 =	vld [tilespmem:s1+$0xFFFFFFD0]  }
0x220: {  	v1 =	vld.idx.msk [tilespmem:v1+s20+$0x0], $0xffff  }
0x221: {  	v3 =	vld.idx.msk [tilespmem:v3+s20+$0x0], $0xffff  }
0x222: {  	v4 =	vld.idx.msk [tilespmem:v4+s20+$0x0], $0xffff  }
0x223: {  	v5 =	vld.idx.msk [tilespmem:v5+s20+$0x0], $0xffff  }
0x224: {  	v7 =	vld.idx.msk [tilespmem:v7+s20+$0x0], $0xffff  }
0x225: {  	s1 =	simm.s32 $0x1DC00;
	v6 =	vld.idx.msk [tilespmem:v6+s20+$0x0], $0xffff  }
0x226: {  	v63 =	vld.idx.msk [tilespmem:v57+s20+$0x0], $0xffff;
	[tilespmem:s1+$0x70] =	vst v1  }
0x227: {  	v1 =	vld.idx.msk [tilespmem:v2+s20+$0x0], $0xffff;
	[tilespmem:s1+$0xFFFFFF90] =	vst v3  }
0x228: {  	[tilespmem:s1+$0xFFFFFFA0] =	vst v4;
	v2 =	vld.idx.msk [tilespmem:v58+s20+$0x0], $0xffff  }
0x229: {  	[tilespmem:s1+$0xFFFFFF80] =	vst v7;
	v7 =	vld.idx.msk [tilespmem:v8+s20+$0x0], $0xffff  }
0x22a: {  	[tilespmem:s1+$0xFFFFFFB0] =	vst v5;
	v8 =	vld.idx.msk [tilespmem:v56+s20+$0x0], $0xffff  }
0x22b: {  	[tilespmem:s1+$0xFFFFFFC0] =	vst v6;
	v3 =	vld.idx.msk [tilespmem:v59+s20+$0x0], $0xffff  }
0x22c: {  	v4 =	vld.idx.msk [tilespmem:v60+s20+$0x0], $0xffff;
	[tilespmem:s1+$0x0] =	vst v63  }
0x22d: {  	v5 =	vld.idx.msk [tilespmem:v61+s20+$0x0], $0xffff;
	[tilespmem:s1+$0xFFFFFFD0] =	vst v1  }
0x22e: {  	v6 =	vld.idx.msk [tilespmem:v62+s20+$0x0], $0xffff;
	[tilespmem:s1+$0xFFFFFFE0] =	vst v7  }
0x22f: {  	s16 =	simm.s32 $0x0;
	s7 =	simm.s32 $0x1A280;
	v1 =	vld.idx.msk [tilespmem:v16+s20+$0x0], $0xffff;
	[tilespmem:s1+$0xFFFFFFF0] =	vst v8  }
.LBB2_15:
0x230: {  	v7 =	vld [tilespmem:s7+$0x70];
	s16 =	sadd.s32 $0x100, s16;
	[tilespmem:s1+$0x10] =	vst v2  }
0x231: {  	v2 =	vld [tilespmem:s7+$0xFFFFFF10];
	p2 =	slt.u32 s16, $0x900;
	[tilespmem:s1+$0x20] =	vst v3  }
0x232: {  	v3 =	vld [tilespmem:s7+$0xFFFFFF20];
	[tilespmem:s1+$0x30] =	vst v4  }
0x233: {  	v4 =	vld [tilespmem:s7+$0xFFFFFF30];
	[tilespmem:s1+$0x40] =	vst v5  }
0x234: {  	s0 =	sadd.s32 $0x100, s0;
	v5 =	vld [tilespmem:s7+$0xFFFFFF40];
	[tilespmem:s1+$0x50] =	vst v6  }
0x235: {  	v6 =	vld [tilespmem:s7+$0xFFFFFF50];
	[tilespmem:s0+$0x70] =	vst v7  }
0x236: {  	[tilespmem:s0+$0xFFFFFF90] =	vst v2;
	v2 =	vld [tilespmem:s7+$0xF0]  }
0x237: {  	[tilespmem:s0+$0xFFFFFFA0] =	vst v3;
	v3 =	vld [tilespmem:s7+$0xFFFFFF60]  }
0x238: {  	[tilespmem:s0+$0xFFFFFFB0] =	vst v4;
	v4 =	vld [tilespmem:s7+$0xFFFFFF70]  }
0x239: {  	[tilespmem:s0+$0xFFFFFFC0] =	vst v5;
	v5 =	vld [tilespmem:s7+$0x0]  }
0x23a: {  	[tilespmem:s0+$0xFFFFFFD0] =	vst v6;
	v6 =	vld [tilespmem:s7+$0x10]  }
0x23b: {  	v7 =	vld [tilespmem:s7+$0x20];
	[tilespmem:s1+$0x60] =	vst v1  }
0x23c: {  	[tilespmem:s0+$0xFFFFFFE0] =	vst v3;
	v1 =	vld [tilespmem:s7+$0x30]  }
0x23d: {  	[tilespmem:s0+$0xFFFFFFF0] =	vst v4;
	v3 =	vld [tilespmem:s7+$0x40]  }
0x23e: {  	[tilespmem:s0+$0x0] =	vst v5;
	v2 =	vld.idx.msk [tilespmem:v2+s20+$0x0], $0xffff  }
0x23f: {  	[tilespmem:s0+$0x10] =	vst v6;
	v4 =	vld [tilespmem:s7+$0x50]  }
0x240: {  	[tilespmem:s0+$0x20] =	vst v7;
	v5 =	vld [tilespmem:s7+$0x60]  }
0x241: {  	v6 =	vld [tilespmem:s7+$0xFFFFFF00];
	[tilespmem:s0+$0x30] =	vst v1  }
0x242: {  	v1 =	vld [tilespmem:s7+$0xFFFFFF90];
	[tilespmem:s0+$0x40] =	vst v3  }
0x243: {  	s1 =	sadd.s32 $0x100, s1;
	v3 =	vld [tilespmem:s7+$0xFFFFFFA0]  }
0x244: {  	v7 =	vld [tilespmem:s7+$0xFFFFFFB0];
	[tilespmem:s1+$0x70] =	vst v2  }
0x245: {  	v2 =	vld [tilespmem:s7+$0xFFFFFFC0];
	[tilespmem:s0+$0x50] =	vst v4  }
0x246: {  	[tilespmem:s0+$0xFFFFFF80] =	vst v6;
	v4 =	vld [tilespmem:s7+$0xFFFFFFD0]  }
0x247: {  	v6 =	vld [tilespmem:s7+$0xFFFFFF80];
	[tilespmem:s0+$0x60] =	vst v5  }
0x248: {  	v5 =	vld [tilespmem:s7+$0xFFFFFFE0]  }
0x249: {  	v8 =	vld [tilespmem:s7+$0xFFFFFFF0]  }
0x24a: {  	v9 =	vld [tilespmem:s7+$0x80]  }
0x24b: {  	v10 =	vld [tilespmem:s7+$0x90]  }
0x24c: {  	v11 =	vld [tilespmem:s7+$0xA0]  }
0x24d: {  	v12 =	vld [tilespmem:s7+$0xB0]  }
0x24e: {  	v13 =	vld [tilespmem:s7+$0xC0]  }
0x24f: {  	v14 =	vld [tilespmem:s7+$0xD0]  }
0x250: {  	v15 =	vld [tilespmem:s7+$0xE0]  }
0x251: {  	v6 =	vld.idx.msk [tilespmem:v6+s20+$0x0], $0xffff  }
0x252: {  	v1 =	vld.idx.msk [tilespmem:v1+s20+$0x0], $0xffff  }
0x253: {  	v3 =	vld.idx.msk [tilespmem:v3+s20+$0x0], $0xffff  }
0x254: {  	v7 =	vld.idx.msk [tilespmem:v7+s20+$0x0], $0xffff  }
0x255: {  	v16 =	vld.idx.msk [tilespmem:v2+s20+$0x0], $0xffff  }
0x256: {  	v4 =	vld.idx.msk [tilespmem:v4+s20+$0x0], $0xffff  }
0x257: {  	[tilespmem:s1+$0xFFFFFF80] =	vst v6;
	v5 =	vld.idx.msk [tilespmem:v5+s20+$0x0], $0xffff  }
0x258: {  	[tilespmem:s1+$0xFFFFFF90] =	vst v1;
	v1 =	vld.idx.msk [tilespmem:v8+s20+$0x0], $0xffff  }
0x259: {  	[tilespmem:s1+$0xFFFFFFA0] =	vst v3;
	v8 =	vld.idx.msk [tilespmem:v9+s20+$0x0], $0xffff  }
0x25a: {  	[tilespmem:s1+$0xFFFFFFB0] =	vst v7;
	v2 =	vld.idx.msk [tilespmem:v10+s20+$0x0], $0xffff  }
.Ltmp9:
0x25b: {  	[tilespmem:s1+$0xFFFFFFC0] =	vst v16;
	v3 =	vld.idx.msk [tilespmem:v11+s20+$0x0], $0xffff;
	(pc) =	sbr.rel @p2 .LBB2_15-.Ltmp9, $4  }
0x25c: {  	[tilespmem:s1+$0xFFFFFFD0] =	vst v4;
	v4 =	vld.idx.msk [tilespmem:v12+s20+$0x0], $0xffff  }
0x25d: {  	[tilespmem:s1+$0xFFFFFFE0] =	vst v5;
	v5 =	vld.idx.msk [tilespmem:v13+s20+$0x0], $0xffff  }
0x25e: {  	[tilespmem:s1+$0xFFFFFFF0] =	vst v1;
	v6 =	vld.idx.msk [tilespmem:v14+s20+$0x0], $0xffff  }
0x25f: {  	s7 =	sadd.s32 $0x200, s7;
	[tilespmem:s1+$0x0] =	vst v8;
	v1 =	vld.idx.msk [tilespmem:v15+s20+$0x0], $0xffff  }
0x260: {  	[tilespmem:s1+$0x10] =	vst v2  }
0x261: {  	[tilespmem:s1+$0x20] =	vst v3  }
.Ltmp10:
0x262: {  	[tilespmem:s1+$0x30] =	vst v4;
	(pc) =	sbr.rel .LBB2_17-.Ltmp10, $4  }
0x263: {  	[tilespmem:s1+$0x40] =	vst v5  }
0x264: {  	[tilespmem:s1+$0x50] =	vst v6  }
0x265: {  	[tilespmem:s1+$0x60] =	vst v1  }
0x266: {  	[spmem:s3] =	stream.indirect.scatter.add.f32 [tilespmem:s18], [sflag:$0x3], $0x1, s23, s22, $0xb8;
	[tilespmem:$0x1EF80] =	vst v63  }
.LBB2_18:
0x267: {  	_ =	sfence.sel $0x180000  }
0x268: {  	[bflag:$0x0] =	sbarrier.arrive $0xFFFF  }
0x269: {  	_ =	strace $0x90000047  }
0x26a: {  	[bflag:$0x2] =	sbarrier.arrive $0xFFFF  }
0x26b: {  	s0 =	rddreg [dreg:$0x4]  }
0x26c: {  	s0 =	sadd.s32 @!p0 $0x100000, s0  }
0x26d: {  	[sflag:s0] =	ssyncadd.tile.s32 @!p0 $0x1;
	_ =	shalt  }
.Lfunc_end2:
_tile_overlayer_lowered:
.L_overlay_start_2:
0x26e: {  	(tag) =	ssettag $0x2  }
0x26f: {  	s0 =	rddreg [dreg:$0x0];
	s2 =	stileid.u32  }
0x270: {  	s1 =	rddreg [dreg:$0x1];
	p0 =	sne.s32 s2, $0x0  }
0x271: {  	s3 =	rddreg [dreg:$0x2];
	[bflag:$0x3] =	sbarrier.arrive $0xFFFF;
	s2 =	simm.s32 @!p0 $0x1C05  }
0x272: {  	[timem:s3], [sflag:s2] =	dma.local @!p0 [hbm:s0], s1  }
0x273: {  	s0 =	simm.s32 @!p0 $0x5  }
0x274: {  	_ =	swait.ge @!p0 [sflag:s0], s1  }
0x275: {  	s1 =	ssub.s32 @!p0 $0x0, s1;
	[sflag:s0] =	ssyncset.done @!p0 $0x0  }
0x276: {  	[sflag:s0] =	ssyncadd.s32 @!p0 s1  }
0x277: {  	[bflag:$0x3] =	sbarrier.arrive $0xFFFF  }
0x278: {  	_ =	shalt  }

</sc_bundles>
